<compile_context>
chip_gen: v7x
topology: tpu7x:2x2x1
jax: 0.10.2.dev20260603
libtpu: 0.0.44.dev20260713+nightly
codegen_flags: <defaults>
</compile_context>

<pallas_src>
import functools

import jax
import jax.numpy as jnp
from jax import lax
from jax.experimental import pallas as pl
from jax.experimental.pallas import tpu as pltpu
from jax.experimental.pallas import tpu_sc as plsc

N = 10000
E = 160000
IN = 128
OUT = 16
DE = 16

NC = 2
NS = 16
NW = NC * NS

CHUNK = 128
E_PAD = 163840
EPW = E_PAD // NW
NCHUNK = EPW // CHUNK
N_ACC = 10240
NPT = N_ACC // NS

MB = 512
NB = 1000


def _msg_body(ea_ref, xj_ref, w_ref, s_ref, c_ref, out_ref):
    h = jnp.dot(ea_ref[...], w_ref[...], preferred_element_type=jnp.float32)
    h = jnp.maximum(h.astype(jnp.bfloat16), jnp.bfloat16(0))
    xjb = xj_ref[...].astype(jnp.bfloat16)
    xr = jnp.concatenate([xjb] * OUT, axis=1)
    g = h * xr
    out_ref[...] = (
        jnp.dot(g, s_ref[...], preferred_element_type=jnp.float32) + c_ref[...]
    )


def _msg_call(ea_pad, xj, w_t, sel, crow):
    return pl.pallas_call(
        _msg_body,
        grid=(E_PAD // MB,),
        in_specs=[
            pl.BlockSpec((MB, DE + 1), lambda i: (i, 0)),
            pl.BlockSpec((MB, IN), lambda i: (i, 0)),
            pl.BlockSpec((DE + 1, OUT * IN), lambda i: (0, 0)),
            pl.BlockSpec((OUT * IN, 32), lambda i: (0, 0)),
            pl.BlockSpec((1, 32), lambda i: (0, 0)),
        ],
        name="nnconv_msg",
        out_specs=pl.BlockSpec((MB, 32), lambda i: (i, 0)),
        out_shape=jax.ShapeDtypeStruct((E_PAD, 32), jnp.float32),
    )(ea_pad, xj, w_t, sel, crow)


_MESH = plsc.VectorSubcoreMesh(core_axis_name="c", subcore_axis_name="s")


def _gather_body(src_hbm, x_hbm, out_hbm, idx_v, rows0, rows1, sem0, sem1):
    wid = lax.axis_index("s") * NC + lax.axis_index("c")
    pltpu.sync_copy(src_hbm.at[wid], idx_v)
    base = wid * EPW

    pltpu.async_copy(x_hbm.at[idx_v.at[0]], rows0, sem0)

    def pair(k, carry):
        j0 = 2 * k
        pltpu.async_copy(x_hbm.at[idx_v.at[j0 + 1]], rows1, sem1)
        pltpu.make_async_copy(x_hbm.at[idx_v.at[j0]], rows0, sem0).wait()
        pltpu.sync_copy(rows0, out_hbm.at[pl.ds(base + j0 * CHUNK, CHUNK)])
        jn = lax.rem(j0 + 2, NCHUNK)
        pltpu.async_copy(x_hbm.at[idx_v.at[jn]], rows0, sem0)
        pltpu.make_async_copy(x_hbm.at[idx_v.at[j0 + 1]], rows1, sem1).wait()
        pltpu.sync_copy(rows1, out_hbm.at[pl.ds(base + (j0 + 1) * CHUNK, CHUNK)])
        return carry

    lax.fori_loop(0, NCHUNK // 2, pair, 0)
    pltpu.make_async_copy(x_hbm.at[idx_v.at[0]], rows0, sem0).wait()


def _make_gather(interpret=False):
    return pl.kernel(
        _gather_body,
        out_type=jax.ShapeDtypeStruct((E_PAD, IN), jnp.float32),
        mesh=_MESH,
        scratch_types=[
            pltpu.VMEM((NCHUNK, CHUNK), jnp.int32),
            pltpu.VMEM((CHUNK, IN), jnp.float32),
            pltpu.VMEM((CHUNK, IN), jnp.float32),
            pltpu.SemaphoreType.DMA,
            pltpu.SemaphoreType.DMA,
        ],
        interpret=interpret,
    )


_gather_sc = _make_gather()


def _scatter_body(dst_hbm, msg_hbm, zeros_hbm, out_hbm, idx_v, m_v, acc_sh, sem):
    cid = lax.axis_index("c")
    sid = lax.axis_index("s")
    wid = cid * NS + sid
    pltpu.sync_copy(zeros_hbm, acc_sh.at[pl.ds(sid * NPT, NPT)])
    plsc.subcore_barrier()
    base = wid * EPW

    def chunk(j, carry):
        pltpu.sync_copy(dst_hbm.at[wid, j], idx_v)
        pltpu.sync_copy(msg_hbm.at[pl.ds(base + j * CHUNK, CHUNK)], m_v)
        pltpu.sync_copy(m_v, acc_sh.at[idx_v], add=True)
        return carry

    lax.fori_loop(0, NCHUNK, chunk, 0)
    plsc.subcore_barrier()
    pltpu.sync_copy(acc_sh.at[pl.ds(sid * NPT, NPT)],
                    out_hbm.at[cid, pl.ds(sid * NPT, NPT)])


def _make_scatter(interpret=False):
    return pl.kernel(
        _scatter_body,
        out_type=jax.ShapeDtypeStruct((NC, N_ACC, 32), jnp.float32),
        mesh=_MESH,
        compiler_params=pltpu.CompilerParams(use_tc_tiling_on_sc=False),
        scratch_types=[
            pltpu.VMEM((CHUNK,), jnp.int32),
            pltpu.VMEM((CHUNK, 32), jnp.float32),
            pltpu.VMEM_SHARED((N_ACC, 32), jnp.float32),
            pltpu.SemaphoreType.DMA,
        ],
        interpret=interpret,
    )


_scatter_sc = _make_scatter()


def _final_body(p_ref, x_ref, rw_ref, bias_ref, out_ref):
    p = p_ref[0] + p_ref[1]
    s = p[:, :OUT]
    c = p[:, OUT:OUT + 1]
    agg = s / jnp.maximum(c, 1.0)
    root = jnp.dot(x_ref[...], rw_ref[...], preferred_element_type=jnp.float32)
    out_ref[...] = agg + root + bias_ref[...]


def _final_call(parts, x, root_W, bias2):
    return pl.pallas_call(
        _final_body,
        grid=(N // NB,),
        in_specs=[
            pl.BlockSpec((2, NB, 32), lambda i: (0, i, 0)),
            pl.BlockSpec((NB, IN), lambda i: (i, 0)),
            pl.BlockSpec((IN, OUT), lambda i: (0, 0)),
            pl.BlockSpec((1, OUT), lambda i: (0, 0)),
        ],
        out_specs=pl.BlockSpec((NB, OUT), lambda i: (i, 0)),
        out_shape=jax.ShapeDtypeStruct((N, OUT), jnp.float32),
    )(parts, x, root_W, bias2)


def kernel(x, edge_index, edge_attr, fnn_W, fnn_b, root_W, bias):
    src = edge_index[0]
    dst = edge_index[1]

    pad = E_PAD - E
    src_p = jnp.concatenate([src, jnp.zeros((pad,), jnp.int32)])
    dst_p = jnp.concatenate([dst, jnp.full((pad,), N, jnp.int32)])
    ea_p = jnp.concatenate([edge_attr, jnp.zeros((pad, DE), jnp.float32)])

    w_t = fnn_W.reshape(DE, IN, OUT).transpose(0, 2, 1).reshape(DE, OUT * IN)
    b_t = fnn_b.reshape(IN, OUT).transpose(1, 0).reshape(1, OUT * IN)
    ea_p = jnp.concatenate(
        [ea_p, jnp.ones((E_PAD, 1), jnp.float32)], axis=1).astype(jnp.bfloat16)
    w_t = jnp.concatenate([w_t, b_t], axis=0).astype(jnp.bfloat16)
    oid = jnp.arange(OUT * IN, dtype=jnp.int32) // IN
    sel = (oid[:, None] == jnp.arange(32)[None, :]).astype(jnp.bfloat16)
    crow = (jnp.arange(32) == OUT).astype(jnp.float32).reshape(1, 32)

    src3 = src_p.reshape(NW, NCHUNK, CHUNK)
    xj = _gather_sc(src3, x)

    msgc = _msg_call(ea_p, xj, w_t, sel, crow)

    dst3 = dst_p.reshape(NW, NCHUNK, CHUNK)
    zeros_stripe = jnp.zeros((NPT, 32), jnp.float32)
    parts = _scatter_sc(dst3, msgc, zeros_stripe)

    return _final_call(parts, x, root_W, bias.reshape(1, OUT))

# --- scband reference (transcript-rebuilt; emitter-appended) ---
"""Pipeline reference for scband-net-conv-36378372997405 (READ-ONLY COPY).

The authoritative reference and input builder live on the scoring server;
editing this copy changes nothing except your own understanding.
"""

import jax, jax.numpy as jnp
import numpy as np

N = 10000
E = 160000
IN = 128
OUT = 16
DE = 16

def setup_inputs(seed: int = 0) -> dict:
    key = jax.random.key(seed)
    ks = jax.random.split(key, 6)
    x = jax.random.normal(ks[0], (N, IN), dtype=jnp.float32)
    edge_index = jax.random.randint(ks[1], (2, E), 0, N, dtype=jnp.int32)
    edge_attr = jax.random.normal(ks[2], (E, DE), dtype=jnp.float32) * 0.5
    # fnn: CModel.ff_unit(edge_features -> in_channels*out_channels), implemented as Linear + ReLU
    fnn_W = jax.random.normal(ks[3], (DE, IN * OUT), dtype=jnp.float32) * (1.0 / np.sqrt(DE))
    fnn_b = jnp.zeros((IN * OUT,), dtype=jnp.float32)
    # NNConv root weight (Linear(in, out, bias=False)) and output bias
    root_W = jax.random.normal(ks[4], (IN, OUT), dtype=jnp.float32) * (1.0 / np.sqrt(IN))
    bias = jnp.zeros((OUT,), dtype=jnp.float32)
    return {"x": x, "edge_index": edge_index, "edge_attr": edge_attr,
            "fnn_W": fnn_W, "fnn_b": fnn_b, "root_W": root_W, "bias": bias}

def reference(x, edge_index, edge_attr, fnn_W, fnn_b, root_W, bias):
    src = edge_index[0]
    dst = edge_index[1]
    # per-edge weight matrix from the edge network
    w = jax.nn.relu(edge_attr @ fnn_W + fnn_b).reshape(E, IN, OUT)
    # gather source node features and apply per-edge transform (message)
    x_j = jnp.take(x, src, axis=0)
    msg = jnp.einsum('ei,eio->eo', x_j, w)
    # mean aggregation over destination nodes
    summed = jax.ops.segment_sum(msg, dst, num_segments=N)
    cnt = jax.ops.segment_sum(jnp.ones((E,), dtype=jnp.float32), dst, num_segments=N)
    agg = summed / jnp.clip(cnt, 1.0, None)[:, None]
    # root weight + bias
    out = agg + x @ root_W + bias
    return out

if __name__ == "__main__":
    import jax
    _d = setup_inputs()
    print(jax.jit(kernel)(*tuple(_d.values())))

</pallas_src>

<mosaic_0001>
#map = affine_map<(d0, d1) -> (0, 0, 0)>
#map1 = affine_map<(d0, d1) -> (0, 0)>
module attributes {stable_mosaic.version = 14 : i64} {
  func.func @_scatter_body(%arg0: i32, %arg1: i32, %arg2: memref<32x40x128xi32, #tpu.memory_space<hbm>>, %arg3: memref<163840x32xf32, #tpu.memory_space<hbm>>, %arg4: memref<640x32xf32, #tpu.memory_space<hbm>>, %arg5: memref<2x10240x32xf32, #tpu.memory_space<hbm>>, %arg6: memref<128xi32, #tpu.memory_space<vmem>>, %arg7: memref<128x32xf32, #tpu.memory_space<vmem>>, %arg8: memref<10240x32xf32, #tpu.memory_space<vmem_shared>>, %arg9: memref<!tpu.dma_semaphore, #tpu.memory_space<semaphore_mem>>) attributes {dimension_semantics = [#tpu.dimension_semantics<core_parallel>, #tpu.dimension_semantics<subcore_parallel>], iteration_bounds = array<i64: 2, 16>, scalar_prefetch = 0 : i64, scratch_operands = 4 : i64, tpu.core_type = #tpu.core_type<sc_vector_subcore>, window_params = [{transform_indices = #map}, {transform_indices = #map1}, {transform_indices = #map1}, {transform_indices = #map}]} {
    %mul3A = arith.constant 16 : i32
    %mul3A_0 = arith.muli %arg0, %mul3A : i32
    %add3A = arith.addi %mul3A_0, %arg1 : i32
    %mul3A_1 = arith.constant 640 : i32
    %mul3A_2 = arith.muli %arg1, %mul3A_1 : i32
    "tpu.region"() ({
      %run_scoped3A = tpu.sem_alloc : memref<!tpu.dma_semaphore, #tpu.memory_space<semaphore_mem>>
      %dma_start3A = arith.constant 0 : i32
      %dma_start3A_15 = tpu.memref_slice %arg8[%mul3A_2, %dma_start3A] : memref<10240x32xf32, #tpu.memory_space<vmem_shared>> -> memref<640x32xf32, #tpu.memory_space<vmem_shared>>
      tpu.enqueue_dma source(%arg4 : memref<640x32xf32, #tpu.memory_space<hbm>>) target(%dma_start3A_15 : memref<640x32xf32, #tpu.memory_space<vmem_shared>>) target_semaphore(%run_scoped3A : memref<!tpu.dma_semaphore, #tpu.memory_space<semaphore_mem>>)
      %dma_wait3A = arith.constant 0 : i32
      %dma_wait3A_16 = tpu.memref_slice %arg8[%mul3A_2, %dma_wait3A] : memref<10240x32xf32, #tpu.memory_space<vmem_shared>> -> memref<640x32xf32, #tpu.memory_space<vmem_shared>>
      tpu.wait_dma2 semaphore(%run_scoped3A : memref<!tpu.dma_semaphore, #tpu.memory_space<semaphore_mem>>) src(%arg4 : memref<640x32xf32, #tpu.memory_space<hbm>>) dst(%dma_wait3A_16 : memref<640x32xf32, #tpu.memory_space<vmem_shared>>)
      tpu.yield
    }) : () -> ()
    %barrier3A = arith.constant 0 : index
    tpu.barrier barrier_id(%barrier3A)
    %mul3A_3 = arith.constant 5120 : i32
    %mul3A_4 = arith.muli %add3A, %mul3A_3 : i32
    %scan3A = arith.constant 0 : i32
    %scan3A_5 = arith.constant 0 : i32
    %scan3A_6 = arith.constant 40 : i32
    %scan3A_7 = arith.addi %scan3A_5, %scan3A_6 : i32
    %scan3A_8 = arith.constant 1 : i32
    scf.for %scan3A_15 = %scan3A_5 to %scan3A_7 step %scan3A_8  : i32 {
      "tpu.region"() ({
        %run_scoped3A = tpu.sem_alloc : memref<!tpu.dma_semaphore, #tpu.memory_space<semaphore_mem>>
        %dma_start3A = arith.constant 0 : i32
        %dma_start3A_19 = tpu.memref_slice %arg2[%add3A, %scan3A_15, %dma_start3A] : memref<32x40x128xi32, #tpu.memory_space<hbm>> -> memref<1x1x128xi32, #tpu.memory_space<hbm>>
        %dma_start3A_20 = tpu.memref_squeeze %dma_start3A_19 : memref<1x1x128xi32, #tpu.memory_space<hbm>> -> memref<128xi32, #tpu.memory_space<hbm>>
        %dma_start3A_21 = arith.constant 0 : i32
        %dma_start3A_22 = tpu.memref_slice %arg2[%add3A, %scan3A_15, %dma_start3A_21] : memref<32x40x128xi32, #tpu.memory_space<hbm>> -> memref<1x1x128xi32, #tpu.memory_space<hbm>>
        %dma_start3A_23 = tpu.memref_squeeze %dma_start3A_22 : memref<1x1x128xi32, #tpu.memory_space<hbm>> -> memref<128xi32, #tpu.memory_space<hbm>>
        tpu.enqueue_dma source(%dma_start3A_23 : memref<128xi32, #tpu.memory_space<hbm>>) target(%arg6 : memref<128xi32, #tpu.memory_space<vmem>>) target_semaphore(%run_scoped3A : memref<!tpu.dma_semaphore, #tpu.memory_space<semaphore_mem>>)
        %dma_wait3A = arith.constant 0 : i32
        %dma_wait3A_24 = tpu.memref_slice %arg2[%add3A, %scan3A_15, %dma_wait3A] : memref<32x40x128xi32, #tpu.memory_space<hbm>> -> memref<1x1x128xi32, #tpu.memory_space<hbm>>
        %dma_wait3A_25 = tpu.memref_squeeze %dma_wait3A_24 : memref<1x1x128xi32, #tpu.memory_space<hbm>> -> memref<128xi32, #tpu.memory_space<hbm>>
        %dma_wait3A_26 = arith.constant 0 : i32
        %dma_wait3A_27 = tpu.memref_slice %arg2[%add3A, %scan3A_15, %dma_wait3A_26] : memref<32x40x128xi32, #tpu.memory_space<hbm>> -> memref<1x1x128xi32, #tpu.memory_space<hbm>>
        %dma_wait3A_28 = tpu.memref_squeeze %dma_wait3A_27 : memref<1x1x128xi32, #tpu.memory_space<hbm>> -> memref<128xi32, #tpu.memory_space<hbm>>
        tpu.wait_dma2 semaphore(%run_scoped3A : memref<!tpu.dma_semaphore, #tpu.memory_space<semaphore_mem>>) src(%dma_wait3A_28 : memref<128xi32, #tpu.memory_space<hbm>>) dst(%arg6 : memref<128xi32, #tpu.memory_space<vmem>>)
        tpu.yield
      }) : () -> ()
      %mul3A_16 = arith.constant 128 : i32
      %mul3A_17 = arith.muli %scan3A_15, %mul3A_16 : i32
      %add3A_18 = arith.addi %mul3A_4, %mul3A_17 : i32
      "tpu.region"() ({
        %run_scoped3A = tpu.sem_alloc : memref<!tpu.dma_semaphore, #tpu.memory_space<semaphore_mem>>
        %dma_start3A = arith.constant 0 : i32
        %dma_start3A_19 = tpu.memref_slice %arg3[%add3A_18, %dma_start3A] : memref<163840x32xf32, #tpu.memory_space<hbm>> -> memref<128x32xf32, #tpu.memory_space<hbm>>
        %dma_start3A_20 = arith.constant 0 : i32
        %dma_start3A_21 = tpu.memref_slice %arg3[%add3A_18, %dma_start3A_20] : memref<163840x32xf32, #tpu.memory_space<hbm>> -> memref<128x32xf32, #tpu.memory_space<hbm>>
        tpu.enqueue_dma source(%dma_start3A_21 : memref<128x32xf32, #tpu.memory_space<hbm>>) target(%arg7 : memref<128x32xf32, #tpu.memory_space<vmem>>) target_semaphore(%run_scoped3A : memref<!tpu.dma_semaphore, #tpu.memory_space<semaphore_mem>>)
        %dma_wait3A = arith.constant 0 : i32
        %dma_wait3A_22 = tpu.memref_slice %arg3[%add3A_18, %dma_wait3A] : memref<163840x32xf32, #tpu.memory_space<hbm>> -> memref<128x32xf32, #tpu.memory_space<hbm>>
        %dma_wait3A_23 = arith.constant 0 : i32
        %dma_wait3A_24 = tpu.memref_slice %arg3[%add3A_18, %dma_wait3A_23] : memref<163840x32xf32, #tpu.memory_space<hbm>> -> memref<128x32xf32, #tpu.memory_space<hbm>>
        tpu.wait_dma2 semaphore(%run_scoped3A : memref<!tpu.dma_semaphore, #tpu.memory_space<semaphore_mem>>) src(%dma_wait3A_24 : memref<128x32xf32, #tpu.memory_space<hbm>>) dst(%arg7 : memref<128x32xf32, #tpu.memory_space<vmem>>)
        tpu.yield
      }) : () -> ()
      "tpu.region"() ({
        %run_scoped3A = tpu.sem_alloc : memref<!tpu.dma_semaphore, #tpu.memory_space<semaphore_mem>>
        %dma_start3A = arith.constant 0 : i32
        %dma_start3A_19 = arith.constant 0 : i32
        %dma_start3A_20 = tpu.memref_slice %arg8[%dma_start3A, %dma_start3A_19] : memref<10240x32xf32, #tpu.memory_space<vmem_shared>> -> memref<10240x32xf32, #tpu.memory_space<vmem_shared>>
        tpu.enqueue_indirect_dma source(%arg7 : memref<128x32xf32, #tpu.memory_space<vmem>>) target(%dma_start3A_20 : memref<10240x32xf32, #tpu.memory_space<vmem_shared>>) offsets(%arg6 : memref<128xi32, #tpu.memory_space<vmem>>) semaphore(%run_scoped3A : memref<!tpu.dma_semaphore, #tpu.memory_space<semaphore_mem>>) {add = true}
        %dma_wait3A = arith.constant 0 : i32
        %dma_wait3A_21 = arith.constant 0 : i32
        %dma_wait3A_22 = tpu.memref_slice %arg8[%dma_wait3A, %dma_wait3A_21] : memref<10240x32xf32, #tpu.memory_space<vmem_shared>> -> memref<10240x32xf32, #tpu.memory_space<vmem_shared>>
        tpu.wait_indirect_dma semaphore(%run_scoped3A : memref<!tpu.dma_semaphore, #tpu.memory_space<semaphore_mem>>) src(%arg7 : memref<128x32xf32, #tpu.memory_space<vmem>>) dst(%dma_wait3A_22 : memref<10240x32xf32, #tpu.memory_space<vmem_shared>>)
        tpu.yield
      }) : () -> ()
    }
    %scan3A_9 = arith.constant 40 : i32
    %barrier3A_10 = arith.constant 0 : index
    tpu.barrier barrier_id(%barrier3A_10)
    %mul3A_11 = arith.constant 640 : i32
    %mul3A_12 = arith.muli %arg1, %mul3A_11 : i32
    %mul3A_13 = arith.constant 640 : i32
    %mul3A_14 = arith.muli %arg1, %mul3A_13 : i32
    "tpu.region"() ({
      %run_scoped3A = tpu.sem_alloc : memref<!tpu.dma_semaphore, #tpu.memory_space<semaphore_mem>>
      %dma_start3A = arith.constant 0 : i32
      %dma_start3A_15 = tpu.memref_slice %arg5[%arg0, %mul3A_14, %dma_start3A] : memref<2x10240x32xf32, #tpu.memory_space<hbm>> -> memref<1x640x32xf32, #tpu.memory_space<hbm>>
      %dma_start3A_16 = tpu.memref_squeeze %dma_start3A_15 : memref<1x640x32xf32, #tpu.memory_space<hbm>> -> memref<640x32xf32, #tpu.memory_space<hbm>>
      %dma_start3A_17 = arith.constant 0 : i32
      %dma_start3A_18 = tpu.memref_slice %arg8[%mul3A_12, %dma_start3A_17] : memref<10240x32xf32, #tpu.memory_space<vmem_shared>> -> memref<640x32xf32, #tpu.memory_space<vmem_shared>>
      tpu.enqueue_dma source(%dma_start3A_18 : memref<640x32xf32, #tpu.memory_space<vmem_shared>>) target(%dma_start3A_16 : memref<640x32xf32, #tpu.memory_space<hbm>>) target_semaphore(%run_scoped3A : memref<!tpu.dma_semaphore, #tpu.memory_space<semaphore_mem>>)
      %dma_wait3A = arith.constant 0 : i32
      %dma_wait3A_19 = tpu.memref_slice %arg5[%arg0, %mul3A_14, %dma_wait3A] : memref<2x10240x32xf32, #tpu.memory_space<hbm>> -> memref<1x640x32xf32, #tpu.memory_space<hbm>>
      %dma_wait3A_20 = tpu.memref_squeeze %dma_wait3A_19 : memref<1x640x32xf32, #tpu.memory_space<hbm>> -> memref<640x32xf32, #tpu.memory_space<hbm>>
      %dma_wait3A_21 = arith.constant 0 : i32
      %dma_wait3A_22 = tpu.memref_slice %arg8[%mul3A_12, %dma_wait3A_21] : memref<10240x32xf32, #tpu.memory_space<vmem_shared>> -> memref<640x32xf32, #tpu.memory_space<vmem_shared>>
      tpu.wait_dma2 semaphore(%run_scoped3A : memref<!tpu.dma_semaphore, #tpu.memory_space<semaphore_mem>>) src(%dma_wait3A_22 : memref<640x32xf32, #tpu.memory_space<vmem_shared>>) dst(%dma_wait3A_20 : memref<640x32xf32, #tpu.memory_space<hbm>>)
      tpu.yield
    }) : () -> ()
    return
  }
}

#map = affine_map<(d0, d1) -> (0, 0, 0)>
#map1 = affine_map<(d0, d1) -> (0, 0)>
module attributes {stable_mosaic.version = 14 : i64} {
  func.func @_gather_body(%arg0: i32, %arg1: i32, %arg2: memref<32x40x128xi32, #tpu.memory_space<hbm>>, %arg3: memref<10000x128xf32, #tpu.memory_space<hbm>>, %arg4: memref<163840x128xf32, #tpu.memory_space<hbm>>, %arg5: memref<40x128xi32, #tpu.memory_space<vmem>>, %arg6: memref<128x128xf32, #tpu.memory_space<vmem>>, %arg7: memref<128x128xf32, #tpu.memory_space<vmem>>, %arg8: memref<!tpu.dma_semaphore, #tpu.memory_space<semaphore_mem>>, %arg9: memref<!tpu.dma_semaphore, #tpu.memory_space<semaphore_mem>>) attributes {dimension_semantics = [#tpu.dimension_semantics<core_parallel>, #tpu.dimension_semantics<subcore_parallel>], iteration_bounds = array<i64: 2, 16>, scalar_prefetch = 0 : i64, scratch_operands = 5 : i64, tpu.core_type = #tpu.core_type<sc_vector_subcore>, window_params = [{transform_indices = #map}, {transform_indices = #map1}, {transform_indices = #map1}]} {
    %mul3A = arith.constant 2 : i32
    %mul3A_0 = arith.muli %arg1, %mul3A : i32
    %add3A = arith.addi %mul3A_0, %arg0 : i32
    "tpu.region"() ({
      %run_scoped3A = tpu.sem_alloc : memref<!tpu.dma_semaphore, #tpu.memory_space<semaphore_mem>>
      %dma_start3A_20 = arith.constant 0 : i32
      %dma_start3A_21 = arith.constant 0 : i32
      %dma_start3A_22 = tpu.memref_slice %arg2[%add3A, %dma_start3A_20, %dma_start3A_21] : memref<32x40x128xi32, #tpu.memory_space<hbm>> -> memref<1x40x128xi32, #tpu.memory_space<hbm>>
      %dma_start3A_23 = tpu.memref_squeeze %dma_start3A_22 : memref<1x40x128xi32, #tpu.memory_space<hbm>> -> memref<40x128xi32, #tpu.memory_space<hbm>>
      %dma_start3A_24 = arith.constant 0 : i32
      %dma_start3A_25 = arith.constant 0 : i32
      %dma_start3A_26 = tpu.memref_slice %arg2[%add3A, %dma_start3A_24, %dma_start3A_25] : memref<32x40x128xi32, #tpu.memory_space<hbm>> -> memref<1x40x128xi32, #tpu.memory_space<hbm>>
      %dma_start3A_27 = tpu.memref_squeeze %dma_start3A_26 : memref<1x40x128xi32, #tpu.memory_space<hbm>> -> memref<40x128xi32, #tpu.memory_space<hbm>>
      tpu.enqueue_dma source(%dma_start3A_27 : memref<40x128xi32, #tpu.memory_space<hbm>>) target(%arg5 : memref<40x128xi32, #tpu.memory_space<vmem>>) target_semaphore(%run_scoped3A : memref<!tpu.dma_semaphore, #tpu.memory_space<semaphore_mem>>)
      %dma_wait3A_28 = arith.constant 0 : i32
      %dma_wait3A_29 = arith.constant 0 : i32
      %dma_wait3A_30 = tpu.memref_slice %arg2[%add3A, %dma_wait3A_28, %dma_wait3A_29] : memref<32x40x128xi32, #tpu.memory_space<hbm>> -> memref<1x40x128xi32, #tpu.memory_space<hbm>>
      %dma_wait3A_31 = tpu.memref_squeeze %dma_wait3A_30 : memref<1x40x128xi32, #tpu.memory_space<hbm>> -> memref<40x128xi32, #tpu.memory_space<hbm>>
      %dma_wait3A_32 = arith.constant 0 : i32
      %dma_wait3A_33 = arith.constant 0 : i32
      %dma_wait3A_34 = tpu.memref_slice %arg2[%add3A, %dma_wait3A_32, %dma_wait3A_33] : memref<32x40x128xi32, #tpu.memory_space<hbm>> -> memref<1x40x128xi32, #tpu.memory_space<hbm>>
      %dma_wait3A_35 = tpu.memref_squeeze %dma_wait3A_34 : memref<1x40x128xi32, #tpu.memory_space<hbm>> -> memref<40x128xi32, #tpu.memory_space<hbm>>
      tpu.wait_dma2 semaphore(%run_scoped3A : memref<!tpu.dma_semaphore, #tpu.memory_space<semaphore_mem>>) src(%dma_wait3A_35 : memref<40x128xi32, #tpu.memory_space<hbm>>) dst(%arg5 : memref<40x128xi32, #tpu.memory_space<vmem>>)
      tpu.yield
    }) : () -> ()
    %mul3A_1 = arith.constant 5120 : i32
    %mul3A_2 = arith.muli %add3A, %mul3A_1 : i32
    %dma_start3A = arith.constant 0 : i32
    %dma_start3A_3 = arith.constant 0 : i32
    %dma_start3A_4 = tpu.memref_slice %arg5[%dma_start3A, %dma_start3A_3] : memref<40x128xi32, #tpu.memory_space<vmem>> -> memref<1x128xi32, #tpu.memory_space<vmem>>
    %dma_start3A_5 = tpu.memref_squeeze %dma_start3A_4 : memref<1x128xi32, #tpu.memory_space<vmem>> -> memref<128xi32, #tpu.memory_space<vmem>>
    %dma_start3A_6 = arith.constant 0 : i32
    %dma_start3A_7 = arith.constant 0 : i32
    %dma_start3A_8 = tpu.memref_slice %arg3[%dma_start3A_6, %dma_start3A_7] : memref<10000x128xf32, #tpu.memory_space<hbm>> -> memref<10000x128xf32, #tpu.memory_space<hbm>>
    tpu.enqueue_indirect_dma source(%dma_start3A_8 : memref<10000x128xf32, #tpu.memory_space<hbm>>) target(%arg6 : memref<128x128xf32, #tpu.memory_space<vmem>>) offsets(%dma_start3A_5 : memref<128xi32, #tpu.memory_space<vmem>>) semaphore(%arg8 : memref<!tpu.dma_semaphore, #tpu.memory_space<semaphore_mem>>)
    %scan3A = arith.constant 0 : i32
    %scan3A_9 = arith.constant 0 : i32
    %scan3A_10 = arith.constant 20 : i32
    %scan3A_11 = arith.addi %scan3A_9, %scan3A_10 : i32
    %scan3A_12 = arith.constant 1 : i32
    scf.for %scan3A_20 = %scan3A_9 to %scan3A_11 step %scan3A_12  : i32 {
      %mul3A_21 = arith.constant 2 : i32
      %mul3A_22 = arith.muli %mul3A_21, %scan3A_20 : i32
      %add3A_23 = arith.constant 1 : i32
      %add3A_24 = arith.addi %mul3A_22, %add3A_23 : i32
      %dma_start3A_25 = arith.constant 0 : i32
      %dma_start3A_26 = tpu.memref_slice %arg5[%add3A_24, %dma_start3A_25] : memref<40x128xi32, #tpu.memory_space<vmem>> -> memref<1x128xi32, #tpu.memory_space<vmem>>
      %dma_start3A_27 = tpu.memref_squeeze %dma_start3A_26 : memref<1x128xi32, #tpu.memory_space<vmem>> -> memref<128xi32, #tpu.memory_space<vmem>>
      %dma_start3A_28 = arith.constant 0 : i32
      %dma_start3A_29 = arith.constant 0 : i32
      %dma_start3A_30 = tpu.memref_slice %arg3[%dma_start3A_28, %dma_start3A_29] : memref<10000x128xf32, #tpu.memory_space<hbm>> -> memref<10000x128xf32, #tpu.memory_space<hbm>>
      tpu.enqueue_indirect_dma source(%dma_start3A_30 : memref<10000x128xf32, #tpu.memory_space<hbm>>) target(%arg7 : memref<128x128xf32, #tpu.memory_space<vmem>>) offsets(%dma_start3A_27 : memref<128xi32, #tpu.memory_space<vmem>>) semaphore(%arg9 : memref<!tpu.dma_semaphore, #tpu.memory_space<semaphore_mem>>)
      %dma_wait3A_31 = arith.constant 0 : i32
      %dma_wait3A_32 = tpu.memref_slice %arg5[%mul3A_22, %dma_wait3A_31] : memref<40x128xi32, #tpu.memory_space<vmem>> -> memref<1x128xi32, #tpu.memory_space<vmem>>
      %dma_wait3A_33 = tpu.memref_squeeze %dma_wait3A_32 : memref<1x128xi32, #tpu.memory_space<vmem>> -> memref<128xi32, #tpu.memory_space<vmem>>
      %dma_wait3A_34 = arith.constant 0 : i32
      %dma_wait3A_35 = arith.constant 0 : i32
      %dma_wait3A_36 = tpu.memref_slice %arg3[%dma_wait3A_34, %dma_wait3A_35] : memref<10000x128xf32, #tpu.memory_space<hbm>> -> memref<10000x128xf32, #tpu.memory_space<hbm>>
      tpu.wait_indirect_dma semaphore(%arg8 : memref<!tpu.dma_semaphore, #tpu.memory_space<semaphore_mem>>) src(%dma_wait3A_36 : memref<10000x128xf32, #tpu.memory_space<hbm>>) dst(%arg6 : memref<128x128xf32, #tpu.memory_space<vmem>>)
      %mul3A_37 = arith.constant 128 : i32
      %mul3A_38 = arith.muli %mul3A_22, %mul3A_37 : i32
      %add3A_39 = arith.addi %mul3A_2, %mul3A_38 : i32
      "tpu.region"() ({
        %run_scoped3A = tpu.sem_alloc : memref<!tpu.dma_semaphore, #tpu.memory_space<semaphore_mem>>
        %dma_start3A_62 = arith.constant 0 : i32
        %dma_start3A_63 = tpu.memref_slice %arg4[%add3A_39, %dma_start3A_62] : memref<163840x128xf32, #tpu.memory_space<hbm>> -> memref<128x128xf32, #tpu.memory_space<hbm>>
        %dma_start3A_64 = arith.constant 0 : i32
        %dma_start3A_65 = tpu.memref_slice %arg4[%add3A_39, %dma_start3A_64] : memref<163840x128xf32, #tpu.memory_space<hbm>> -> memref<128x128xf32, #tpu.memory_space<hbm>>
        tpu.enqueue_dma source(%arg6 : memref<128x128xf32, #tpu.memory_space<vmem>>) target(%dma_start3A_65 : memref<128x128xf32, #tpu.memory_space<hbm>>) target_semaphore(%run_scoped3A : memref<!tpu.dma_semaphore, #tpu.memory_space<semaphore_mem>>)
        %dma_wait3A_66 = arith.constant 0 : i32
        %dma_wait3A_67 = tpu.memref_slice %arg4[%add3A_39, %dma_wait3A_66] : memref<163840x128xf32, #tpu.memory_space<hbm>> -> memref<128x128xf32, #tpu.memory_space<hbm>>
        %dma_wait3A_68 = arith.constant 0 : i32
        %dma_wait3A_69 = tpu.memref_slice %arg4[%add3A_39, %dma_wait3A_68] : memref<163840x128xf32, #tpu.memory_space<hbm>> -> memref<128x128xf32, #tpu.memory_space<hbm>>
        tpu.wait_dma2 semaphore(%run_scoped3A : memref<!tpu.dma_semaphore, #tpu.memory_space<semaphore_mem>>) src(%arg6 : memref<128x128xf32, #tpu.memory_space<vmem>>) dst(%dma_wait3A_69 : memref<128x128xf32, #tpu.memory_space<hbm>>)
        tpu.yield
      }) : () -> ()
      %add3A_40 = arith.constant 2 : i32
      %add3A_41 = arith.addi %mul3A_22, %add3A_40 : i32
      %rem3A = arith.constant 40 : i32
      %rem3A_42 = arith.remsi %add3A_41, %rem3A : i32
      %dma_start3A_43 = arith.constant 0 : i32
      %dma_start3A_44 = tpu.memref_slice %arg5[%rem3A_42, %dma_start3A_43] : memref<40x128xi32, #tpu.memory_space<vmem>> -> memref<1x128xi32, #tpu.memory_space<vmem>>
      %dma_start3A_45 = tpu.memref_squeeze %dma_start3A_44 : memref<1x128xi32, #tpu.memory_space<vmem>> -> memref<128xi32, #tpu.memory_space<vmem>>
      %dma_start3A_46 = arith.constant 0 : i32
      %dma_start3A_47 = arith.constant 0 : i32
      %dma_start3A_48 = tpu.memref_slice %arg3[%dma_start3A_46, %dma_start3A_47] : memref<10000x128xf32, #tpu.memory_space<hbm>> -> memref<10000x128xf32, #tpu.memory_space<hbm>>
      tpu.enqueue_indirect_dma source(%dma_start3A_48 : memref<10000x128xf32, #tpu.memory_space<hbm>>) target(%arg6 : memref<128x128xf32, #tpu.memory_space<vmem>>) offsets(%dma_start3A_45 : memref<128xi32, #tpu.memory_space<vmem>>) semaphore(%arg8 : memref<!tpu.dma_semaphore, #tpu.memory_space<semaphore_mem>>)
      %add3A_49 = arith.constant 1 : i32
      %add3A_50 = arith.addi %mul3A_22, %add3A_49 : i32
      %dma_wait3A_51 = arith.constant 0 : i32
      %dma_wait3A_52 = tpu.memref_slice %arg5[%add3A_50, %dma_wait3A_51] : memref<40x128xi32, #tpu.memory_space<vmem>> -> memref<1x128xi32, #tpu.memory_space<vmem>>
      %dma_wait3A_53 = tpu.memref_squeeze %dma_wait3A_52 : memref<1x128xi32, #tpu.memory_space<vmem>> -> memref<128xi32, #tpu.memory_space<vmem>>
      %dma_wait3A_54 = arith.constant 0 : i32
      %dma_wait3A_55 = arith.constant 0 : i32
      %dma_wait3A_56 = tpu.memref_slice %arg3[%dma_wait3A_54, %dma_wait3A_55] : memref<10000x128xf32, #tpu.memory_space<hbm>> -> memref<10000x128xf32, #tpu.memory_space<hbm>>
      tpu.wait_indirect_dma semaphore(%arg9 : memref<!tpu.dma_semaphore, #tpu.memory_space<semaphore_mem>>) src(%dma_wait3A_56 : memref<10000x128xf32, #tpu.memory_space<hbm>>) dst(%arg7 : memref<128x128xf32, #tpu.memory_space<vmem>>)
      %add3A_57 = arith.constant 1 : i32
      %add3A_58 = arith.addi %mul3A_22, %add3A_57 : i32
      %mul3A_59 = arith.constant 128 : i32
      %mul3A_60 = arith.muli %add3A_58, %mul3A_59 : i32
      %add3A_61 = arith.addi %mul3A_2, %mul3A_60 : i32
      "tpu.region"() ({
        %run_scoped3A = tpu.sem_alloc : memref<!tpu.dma_semaphore, #tpu.memory_space<semaphore_mem>>
        %dma_start3A_62 = arith.constant 0 : i32
        %dma_start3A_63 = tpu.memref_slice %arg4[%add3A_61, %dma_start3A_62] : memref<163840x128xf32, #tpu.memory_space<hbm>> -> memref<128x128xf32, #tpu.memory_space<hbm>>
        %dma_start3A_64 = arith.constant 0 : i32
        %dma_start3A_65 = tpu.memref_slice %arg4[%add3A_61, %dma_start3A_64] : memref<163840x128xf32, #tpu.memory_space<hbm>> -> memref<128x128xf32, #tpu.memory_space<hbm>>
        tpu.enqueue_dma source(%arg7 : memref<128x128xf32, #tpu.memory_space<vmem>>) target(%dma_start3A_65 : memref<128x128xf32, #tpu.memory_space<hbm>>) target_semaphore(%run_scoped3A : memref<!tpu.dma_semaphore, #tpu.memory_space<semaphore_mem>>)
        %dma_wait3A_66 = arith.constant 0 : i32
        %dma_wait3A_67 = tpu.memref_slice %arg4[%add3A_61, %dma_wait3A_66] : memref<163840x128xf32, #tpu.memory_space<hbm>> -> memref<128x128xf32, #tpu.memory_space<hbm>>
        %dma_wait3A_68 = arith.constant 0 : i32
        %dma_wait3A_69 = tpu.memref_slice %arg4[%add3A_61, %dma_wait3A_68] : memref<163840x128xf32, #tpu.memory_space<hbm>> -> memref<128x128xf32, #tpu.memory_space<hbm>>
        tpu.wait_dma2 semaphore(%run_scoped3A : memref<!tpu.dma_semaphore, #tpu.memory_space<semaphore_mem>>) src(%arg7 : memref<128x128xf32, #tpu.memory_space<vmem>>) dst(%dma_wait3A_69 : memref<128x128xf32, #tpu.memory_space<hbm>>)
        tpu.yield
      }) : () -> ()
    }
    %scan3A_13 = arith.constant 20 : i32
    %dma_wait3A = arith.constant 0 : i32
    %dma_wait3A_14 = arith.constant 0 : i32
    %dma_wait3A_15 = tpu.memref_slice %arg5[%dma_wait3A, %dma_wait3A_14] : memref<40x128xi32, #tpu.memory_space<vmem>> -> memref<1x128xi32, #tpu.memory_space<vmem>>
    %dma_wait3A_16 = tpu.memref_squeeze %dma_wait3A_15 : memref<1x128xi32, #tpu.memory_space<vmem>> -> memref<128xi32, #tpu.memory_space<vmem>>
    %dma_wait3A_17 = arith.constant 0 : i32
    %dma_wait3A_18 = arith.constant 0 : i32
    %dma_wait3A_19 = tpu.memref_slice %arg3[%dma_wait3A_17, %dma_wait3A_18] : memref<10000x128xf32, #tpu.memory_space<hbm>> -> memref<10000x128xf32, #tpu.memory_space<hbm>>
    tpu.wait_indirect_dma semaphore(%arg8 : memref<!tpu.dma_semaphore, #tpu.memory_space<semaphore_mem>>) src(%dma_wait3A_19 : memref<10000x128xf32, #tpu.memory_space<hbm>>) dst(%arg6 : memref<128x128xf32, #tpu.memory_space<vmem>>)
    return
  }
}

module attributes {stable_mosaic.version = 14 : i64} {
  func.func @nnconv_msg(%arg0: i32, %arg1: memref<512x17xbf16, #tpu.memory_space<vmem>>, %arg2: memref<512x128xf32, #tpu.memory_space<vmem>>, %arg3: memref<17x2048xbf16, #tpu.memory_space<vmem>>, %arg4: memref<2048x32xbf16, #tpu.memory_space<vmem>>, %arg5: memref<1x32xf32, #tpu.memory_space<vmem>>, %arg6: memref<512x32xf32, #tpu.memory_space<vmem>>) attributes {dimension_semantics = [#tpu.dimension_semantics<arbitrary>], iteration_bounds = array<i64: 320>, scalar_prefetch = 0 : i64, scratch_operands = 0 : i64, tpu.core_type = #tpu.core_type<tc>, window_params = [{transform_indices = @transform_0, window_bounds = array<i64: 512, 17>}, {transform_indices = @transform_1, window_bounds = array<i64: 512, 128>}, {pipeline_mode = #tpu.pipeline_mode<synchronous>, transform_indices = @transform_2, window_bounds = array<i64: 17, 2048>}, {pipeline_mode = #tpu.pipeline_mode<synchronous>, transform_indices = @transform_3, window_bounds = array<i64: 2048, 32>}, {pipeline_mode = #tpu.pipeline_mode<synchronous>, transform_indices = @transform_4, window_bounds = array<i64: 1, 32>}, {transform_indices = @transform_5, window_bounds = array<i64: 512, 32>}]} {
    %get3A = arith.constant 0 : index
    %get3A_0 = arith.constant 0 : index
    %get3A_1 = vector.load %arg1[%get3A, %get3A_0] : memref<512x17xbf16, #tpu.memory_space<vmem>>, vector<512x17xbf16>
    %get3A_2 = arith.constant 0 : index
    %get3A_3 = arith.constant 0 : index
    %get3A_4 = vector.load %arg3[%get3A_2, %get3A_3] : memref<17x2048xbf16, #tpu.memory_space<vmem>>, vector<17x2048xbf16>
    %dot_general3A = arith.constant dense<0.000000e+00> : vector<512x2048xf32>
    %dot_general3A_5 = tpu.matmul %get3A_1, %get3A_4, %dot_general3A {dimension_numbers = #tpu.dot_dimension_numbers<[1], [0], [0], [1], [0, 0, 1, 1], [], []>, transpose_lhs_hint = false} : vector<512x17xbf16>, vector<17x2048xbf16>, vector<512x2048xf32> -> vector<512x2048xf32>
    %convert_element_type3A = arith.truncf %dot_general3A_5 : vector<512x2048xf32> to vector<512x2048xbf16>
    %max3A = arith.constant 0.000000e+00 : bf16
    %max3A_6 = vector.broadcast %max3A : bf16 to vector<512x2048xbf16>
    %max3A_7 = arith.maximumf %convert_element_type3A, %max3A_6 : vector<512x2048xbf16>
    %get3A_8 = arith.constant 0 : index
    %get3A_9 = arith.constant 0 : index
    %get3A_10 = vector.load %arg2[%get3A_8, %get3A_9] : memref<512x128xf32, #tpu.memory_space<vmem>>, vector<512x128xf32>
    %convert_element_type3A_11 = arith.truncf %get3A_10 : vector<512x128xf32> to vector<512x128xbf16>
    %concatenate3A = tpu.concatenate %convert_element_type3A_11, %convert_element_type3A_11, %convert_element_type3A_11, %convert_element_type3A_11, %convert_element_type3A_11, %convert_element_type3A_11, %convert_element_type3A_11, %convert_element_type3A_11, %convert_element_type3A_11, %convert_element_type3A_11, %convert_element_type3A_11, %convert_element_type3A_11, %convert_element_type3A_11, %convert_element_type3A_11, %convert_element_type3A_11, %convert_element_type3A_11 in 1 : vector<512x128xbf16>, vector<512x128xbf16>, vector<512x128xbf16>, vector<512x128xbf16>, vector<512x128xbf16>, vector<512x128xbf16>, vector<512x128xbf16>, vector<512x128xbf16>, vector<512x128xbf16>, vector<512x128xbf16>, vector<512x128xbf16>, vector<512x128xbf16>, vector<512x128xbf16>, vector<512x128xbf16>, vector<512x128xbf16>, vector<512x128xbf16> -> vector<512x2048xbf16>
    %mul3A = arith.mulf %max3A_7, %concatenate3A : vector<512x2048xbf16>
    %get3A_12 = arith.constant 0 : index
    %get3A_13 = arith.constant 0 : index
    %get3A_14 = vector.load %arg4[%get3A_12, %get3A_13] : memref<2048x32xbf16, #tpu.memory_space<vmem>>, vector<2048x32xbf16>
    %dot_general3A_15 = arith.constant dense<0.000000e+00> : vector<512x32xf32>
    %dot_general3A_16 = tpu.matmul %mul3A, %get3A_14, %dot_general3A_15 {dimension_numbers = #tpu.dot_dimension_numbers<[1], [0], [0], [1], [0, 0, 1, 1], [], []>, transpose_lhs_hint = false} : vector<512x2048xbf16>, vector<2048x32xbf16>, vector<512x32xf32> -> vector<512x32xf32>
    %get3A_17 = arith.constant 0 : index
    %get3A_18 = arith.constant 0 : index
    %get3A_19 = vector.load %arg5[%get3A_17, %get3A_18] : memref<1x32xf32, #tpu.memory_space<vmem>>, vector<1x32xf32>
    %add3A = vector.broadcast %get3A_19 : vector<1x32xf32> to vector<512x32xf32>
    %add3A_20 = arith.addf %dot_general3A_16, %add3A : vector<512x32xf32>
    %swap3A = arith.constant 0 : index
    %swap3A_21 = arith.constant 0 : index
    %swap3A_22 = vector.load %arg6[%swap3A, %swap3A_21] : memref<512x32xf32, #tpu.memory_space<vmem>>, vector<512x32xf32>
    tpu.vector_store %arg6[%swap3A, %swap3A_21], %add3A_20 {strides = array<i32>} : memref<512x32xf32, #tpu.memory_space<vmem>>, vector<512x32xf32>,
    return
  }
  func.func @transform_0(%arg0: i32) -> (i32, i32) {
    %c0_i32 = arith.constant 0 : i32
    %c0_i32_0 = arith.constant 0 : i32
    return %arg0, %c0_i32 : i32, i32
  }
  func.func @transform_1(%arg0: i32) -> (i32, i32) {
    %c0_i32 = arith.constant 0 : i32
    %c0_i32_0 = arith.constant 0 : i32
    return %arg0, %c0_i32 : i32, i32
  }
  func.func @transform_2(%arg0: i32) -> (i32, i32) {
    %c0_i32 = arith.constant 0 : i32
    %c0_i32_0 = arith.constant 0 : i32
    %c0_i32_1 = arith.constant 0 : i32
    return %c0_i32, %c0_i32_0 : i32, i32
  }
  func.func @transform_3(%arg0: i32) -> (i32, i32) {
    %c0_i32 = arith.constant 0 : i32
    %c0_i32_0 = arith.constant 0 : i32
    %c0_i32_1 = arith.constant 0 : i32
    return %c0_i32, %c0_i32_0 : i32, i32
  }
  func.func @transform_4(%arg0: i32) -> (i32, i32) {
    %c0_i32 = arith.constant 0 : i32
    %c0_i32_0 = arith.constant 0 : i32
    %c0_i32_1 = arith.constant 0 : i32
    return %c0_i32, %c0_i32_0 : i32, i32
  }
  func.func @transform_5(%arg0: i32) -> (i32, i32) {
    %c0_i32 = arith.constant 0 : i32
    %c0_i32_0 = arith.constant 0 : i32
    return %arg0, %c0_i32 : i32, i32
  }
}

module attributes {stable_mosaic.version = 14 : i64} {
  func.func @_final_body(%arg0: i32, %arg1: memref<2x1000x32xf32, #tpu.memory_space<vmem>>, %arg2: memref<1000x128xf32, #tpu.memory_space<vmem>>, %arg3: memref<128x16xf32, #tpu.memory_space<vmem>>, %arg4: memref<1x16xf32, #tpu.memory_space<vmem>>, %arg5: memref<1000x16xf32, #tpu.memory_space<vmem>>) attributes {dimension_semantics = [#tpu.dimension_semantics<arbitrary>], iteration_bounds = array<i64: 10>, scalar_prefetch = 0 : i64, scratch_operands = 0 : i64, tpu.core_type = #tpu.core_type<tc>, window_params = [{transform_indices = @transform_0, window_bounds = array<i64: 2, 1000, 32>}, {transform_indices = @transform_1, window_bounds = array<i64: 1000, 128>}, {pipeline_mode = #tpu.pipeline_mode<synchronous>, transform_indices = @transform_2, window_bounds = array<i64: 128, 16>}, {pipeline_mode = #tpu.pipeline_mode<synchronous>, transform_indices = @transform_3, window_bounds = array<i64: 1, 16>}, {transform_indices = @transform_4, window_bounds = array<i64: 1000, 16>}]} {
    %get3A = arith.constant 0 : index
    %get3A_0 = arith.constant 0 : index
    %get3A_1 = arith.constant 0 : index
    %get3A_2 = vector.load %arg1[%get3A, %get3A_0, %get3A_1] : memref<2x1000x32xf32, #tpu.memory_space<vmem>>, vector<1x1000x32xf32>
    %get3A_3 = vector.shape_cast %get3A_2 : vector<1x1000x32xf32> to vector<1000x32xf32>
    %get3A_4 = arith.constant 1 : index
    %get3A_5 = arith.constant 0 : index
    %get3A_6 = arith.constant 0 : index
    %get3A_7 = vector.load %arg1[%get3A_4, %get3A_5, %get3A_6] : memref<2x1000x32xf32, #tpu.memory_space<vmem>>, vector<1x1000x32xf32>
    %get3A_8 = vector.shape_cast %get3A_7 : vector<1x1000x32xf32> to vector<1000x32xf32>
    %add3A = arith.addf %get3A_3, %get3A_8 : vector<1000x32xf32>
    %slice3A = vector.extract_strided_slice %add3A {offsets = [0, 0], sizes = [1000, 16], strides = [1, 1]} : vector<1000x32xf32> to vector<1000x16xf32>
    %slice3A_9 = vector.extract_strided_slice %add3A {offsets = [0, 16], sizes = [1000, 1], strides = [1, 1]} : vector<1000x32xf32> to vector<1000x1xf32>
    %max3A = arith.constant 1.000000e+00 : f32
    %max3A_10 = vector.broadcast %max3A : f32 to vector<1000x1xf32>
    %max3A_11 = arith.maximumf %slice3A_9, %max3A_10 : vector<1000x1xf32>
    %div3A = vector.broadcast %max3A_11 : vector<1000x1xf32> to vector<1000x16xf32>
    %div3A_12 = arith.divf %slice3A, %div3A : vector<1000x16xf32>
    %get3A_13 = arith.constant 0 : index
    %get3A_14 = arith.constant 0 : index
    %get3A_15 = vector.load %arg2[%get3A_13, %get3A_14] : memref<1000x128xf32, #tpu.memory_space<vmem>>, vector<1000x128xf32>
    %get3A_16 = arith.constant 0 : index
    %get3A_17 = arith.constant 0 : index
    %get3A_18 = vector.load %arg3[%get3A_16, %get3A_17] : memref<128x16xf32, #tpu.memory_space<vmem>>, vector<128x16xf32>
    %dot_general3A = arith.constant dense<0.000000e+00> : vector<1000x16xf32>
    %dot_general3A_19 = tpu.matmul %get3A_15, %get3A_18, %dot_general3A {dimension_numbers = #tpu.dot_dimension_numbers<[1], [0], [0], [1], [0, 0, 1, 1], [], []>, transpose_lhs_hint = false} : vector<1000x128xf32>, vector<128x16xf32>, vector<1000x16xf32> -> vector<1000x16xf32>
    %add3A_20 = arith.addf %div3A_12, %dot_general3A_19 : vector<1000x16xf32>
    %get3A_21 = arith.constant 0 : index
    %get3A_22 = arith.constant 0 : index
    %get3A_23 = vector.load %arg4[%get3A_21, %get3A_22] : memref<1x16xf32, #tpu.memory_space<vmem>>, vector<1x16xf32>
    %add3A_24 = vector.broadcast %get3A_23 : vector<1x16xf32> to vector<1000x16xf32>
    %add3A_25 = arith.addf %add3A_20, %add3A_24 : vector<1000x16xf32>
    %swap3A = arith.constant 0 : index
    %swap3A_26 = arith.constant 0 : index
    %swap3A_27 = vector.load %arg5[%swap3A, %swap3A_26] : memref<1000x16xf32, #tpu.memory_space<vmem>>, vector<1000x16xf32>
    tpu.vector_store %arg5[%swap3A, %swap3A_26], %add3A_25 {strides = array<i32>} : memref<1000x16xf32, #tpu.memory_space<vmem>>, vector<1000x16xf32>,
    return
  }
  func.func @transform_0(%arg0: i32) -> (i32, i32, i32) {
    %c0_i32 = arith.constant 0 : i32
    %c0_i32_0 = arith.constant 0 : i32
    %c0_i32_1 = arith.constant 0 : i32
    return %c0_i32, %arg0, %c0_i32_0 : i32, i32, i32
  }
  func.func @transform_1(%arg0: i32) -> (i32, i32) {
    %c0_i32 = arith.constant 0 : i32
    %c0_i32_0 = arith.constant 0 : i32
    return %arg0, %c0_i32 : i32, i32
  }
  func.func @transform_2(%arg0: i32) -> (i32, i32) {
    %c0_i32 = arith.constant 0 : i32
    %c0_i32_0 = arith.constant 0 : i32
    %c0_i32_1 = arith.constant 0 : i32
    return %c0_i32, %c0_i32_0 : i32, i32
  }
  func.func @transform_3(%arg0: i32) -> (i32, i32) {
    %c0_i32 = arith.constant 0 : i32
    %c0_i32_0 = arith.constant 0 : i32
    %c0_i32_1 = arith.constant 0 : i32
    return %c0_i32, %c0_i32_0 : i32, i32
  }
  func.func @transform_4(%arg0: i32) -> (i32, i32) {
    %c0_i32 = arith.constant 0 : i32
    %c0_i32_0 = arith.constant 0 : i32
    return %arg0, %c0_i32 : i32, i32
  }
}

</mosaic_0001>

<sc_bundles>
// kernel: kernel.5.cloned.1.call-start
scs
__scs_entry_jumppad:
0x0: {  	(pc) =	sbr.rel $0x88, $3  }
0x1: {  	(tag) =	ssettag $0x0;
	lr =	simm.s32 $0x1  }
0x2: {  	[smem:$0x3F9A] =	sst lr;
	_ =	strace $0xD0000000  }
0x3: {  	_ = 	snop  }
0x4: {  	_ = 	snop  }
0x5: {  	_ = 	snop  }
0x6: {  	_ = 	snop  }
0x7: {  	_ = 	snop  }
__scs_overlays_trampoline_lowered:
0x8: {  	[smem:$0x3FA9] =	sst s0  }
0x9: {  	[smem:$0x3FAA] =	sst s1  }
0xa: {  	[smem:$0x3FAB] =	sst s2  }
0xb: {  	[smem:$0x3FAC] =	sst s3  }
0xc: {  	[smem:$0x3FAD] =	sst s4  }
0xd: {  	[smem:$0x3FAE] =	sst s5  }
0xe: {  	[smem:$0x3FAF] =	sst s6  }
0xf: {  	[smem:$0x3FB0] =	sst s7  }
0x10: {  	[smem:$0x3FB1] =	sst s8  }
0x11: {  	[smem:$0x3FB2] =	sst s9;
	s0 =	simm.s32 @!p0 $0x0  }
0x12: {  	s1 =	sld [smem:$0x3F98];
	s0 =	simm.s32 @p0 $0x1  }
0x13: {  	[smem:$0x3FB3] =	sst s0;
	s0 =	simm.s32 @!p1 $0x0  }
0x14: {  	s2 =	sld [smem:$0x3F97];
	s0 =	simm.s32 @p1 $0x1  }
0x15: {  	[smem:$0x3FB4] =	sst s0;
	s0 =	simm.s32 @!p2 $0x0  }
0x16: {  	s3 =	sld [smem:$0x3FDB];
	s0 =	simm.s32 @p2 $0x1  }
0x17: {  	s4 =	simm.s32 $0x1BF5;
	[smem:$0x3FB6] =	sst s0  }
0x18: {  	s0 =	sld [smem:$0x3F99];
	_ =	swait.ge [sflag:s4], $0x0  }
0x19: {  	s7 =	sld [smem:$0x3F9A]  }
0x1a: {  	s8 =	sadd.s32 $0xFFFFE003, lr  }
0x1b: {  	s9 =	sadd.s32 $0xFFFFFEF7, lr;
	s5 =	simm.s32 $0xFFFFFFFF;
	p2 =	slt.u32 s8, $0xFFFFF086  }
0x1c: {  	p1 =	slt.u32 s9, $0xF7A;
	s5 =	simm.s32 @!p2 $0x0  }
0x1d: {  	s5 =	simm.s32 @p1 $0x1;
	p0 =	seq.s32 s7, s2  }
0x1e: {  	s7 =	smul.u32 @!p0 $0xF7A, s2;
	p2 =	seq.s32 @!p0 s5, $0x0  }
0x1f: {  	s9 =	smul.u32 $0xF7A, s1;
	s8 =	simm.s32 @!p0 $0x1BF5;
	p2 =	por !p2, p0  }
0x20: {  	[sflag:s8] =	ssyncset.s32 @!p0 $0xFFFFF086;
	s6 =	sadd.s32 @!p0 s3, s7;
	s7 =	simm.s32 @!p0 $0x108  }
0x21: {  	s3 =	sadd.s32 s3, s9;
	s6 =	sadd.s32 @!p0 $0x88, s6;
	s7 =	simm.s32 @p2 $0x1082  }
0x22: {  	[simem:s7], [sflag:s8] =	dma.local @!p0 [hbm:s6], $0xF7A  }
0x23: {  	s9 =	sor.u32 $0xD0000000, s2;
	s6 =	simm.s32 $0x108;
	_ =	swait.ge @!p0 [sflag:s8], $0x0  }
0x24: {  	s3 =	sadd.s32 $0x88, s3;
	s6 =	simm.s32 @!p1 $0x1082;
	[sflag:s4] =	ssyncset.s32 $0xFFFFF086  }
0x25: {  	[simem:s6], [sflag:s4] =	dma.local [hbm:s3], $0xF7A  }
0x26: {  	[smem:$0x3F9A] =	sst s1;
	(tag) =	ssettag s2;
	_ =	strace s9  }
0x27: {  	s1 =	sld [smem:$0x3FAA]  }
0x28: {  	s2 =	sld [smem:$0x3FAB]  }
0x29: {  	s4 =	sld [smem:$0x3FAD]  }
0x2a: {  	p0 =	seq.s32 s5, $0x0;
	s5 =	sld [smem:$0x3FAE]  }
0x2b: {  	s6 =	sld [smem:$0x3FAF]  }
0x2c: {  	s7 =	sld [smem:$0x3FB0]  }
0x2d: {  	s3 =	simm.s32 $0x108;
	s8 =	sld [smem:$0x3FB1]  }
0x2e: {  	s3 =	simm.s32 @!p0 $0x1082;
	s9 =	sld [smem:$0x3FB2]  }
0x2f: {  	lr =	sadd.s32 s0, s3;
	s0 =	sld [smem:$0x3FA9]  }
0x30: {  	s3 =	sld [smem:$0x3FAC]  }
0x31: {  	[smem:$0x3FB5] =	sst s10  }
0x32: {  	s10 =	sld [smem:$0x3FB3];
	_ =	sdelay $0x3  }
0x33: {  	p0 =	seq.s32 s10, $0x1;
	s10 =	sld [smem:$0x3FB5];
	_ =	sdelay $0x3  }
0x34: {  	[smem:$0x3FB5] =	sst s10  }
0x35: {  	s10 =	sld [smem:$0x3FB4];
	_ =	sdelay $0x3  }
0x36: {  	p1 =	seq.s32 s10, $0x1;
	s10 =	sld [smem:$0x3FB5];
	_ =	sdelay $0x3  }
0x37: {  	[smem:$0x3FB5] =	sst s10  }
0x38: {  	s10 =	sld [smem:$0x3FB6]  }
0x39: {  	_ = 	snop;
	(pc) =	sbr.ind lr, $3  }
0x3a: {  	_ = 	snop  }
0x3b: {  	_ = 	snop  }
0x3c: {  	p2 =	seq.s32 s10, $0x1;
	s10 =	sld [smem:$0x3FB5]  }
0x3d: {  	_ =	shalt  }
0x3e: {  	_ =	shalt  }
0x3f: {  	_ =	shalt  }
0x40: {  	_ =	shalt  }
0x41: {  	_ =	shalt  }
0x42: {  	_ =	shalt  }
0x43: {  	_ =	shalt  }
0x44: {  	_ =	shalt  }
0x45: {  	_ =	shalt  }
0x46: {  	_ =	shalt  }
0x47: {  	_ =	shalt  }
0x48: {  	_ =	shalt  }
0x49: {  	_ =	shalt  }
0x4a: {  	_ =	shalt  }
0x4b: {  	_ =	shalt  }
0x4c: {  	_ =	shalt  }
0x4d: {  	_ =	shalt  }
0x4e: {  	_ =	shalt  }
0x4f: {  	_ =	shalt  }
0x50: {  	_ =	shalt  }
0x51: {  	_ =	shalt  }
0x52: {  	_ =	shalt  }
0x53: {  	_ =	shalt  }
0x54: {  	_ =	shalt  }
0x55: {  	_ =	shalt  }
0x56: {  	_ =	shalt  }
0x57: {  	_ =	shalt  }
0x58: {  	_ =	shalt  }
0x59: {  	_ =	shalt  }
0x5a: {  	_ =	shalt  }
0x5b: {  	_ =	shalt  }
0x5c: {  	_ =	shalt  }
0x5d: {  	_ =	shalt  }
0x5e: {  	_ =	shalt  }
0x5f: {  	_ =	shalt  }
0x60: {  	_ =	shalt  }
0x61: {  	_ =	shalt  }
0x62: {  	_ =	shalt  }
0x63: {  	_ =	shalt  }
0x64: {  	_ =	shalt  }
0x65: {  	_ =	shalt  }
0x66: {  	_ =	shalt  }
0x67: {  	_ =	shalt  }
0x68: {  	_ =	shalt  }
0x69: {  	_ =	shalt  }
0x6a: {  	_ =	shalt  }
0x6b: {  	_ =	shalt  }
0x6c: {  	_ =	shalt  }
0x6d: {  	_ =	shalt  }
0x6e: {  	_ =	shalt  }
0x6f: {  	_ =	shalt  }
0x70: {  	_ =	shalt  }
0x71: {  	_ =	shalt  }
0x72: {  	_ =	shalt  }
0x73: {  	_ =	shalt  }
0x74: {  	_ =	shalt  }
0x75: {  	_ =	shalt  }
0x76: {  	_ =	shalt  }
0x77: {  	_ =	shalt  }
0x78: {  	_ =	shalt  }
0x79: {  	_ =	shalt  }
0x7a: {  	_ =	shalt  }
0x7b: {  	_ =	shalt  }
0x7c: {  	_ =	shalt  }
0x7d: {  	_ =	shalt  }
0x7e: {  	_ =	shalt  }
0x7f: {  	_ =	shalt  }
0x80: {  	_ =	shalt  }
0x81: {  	_ =	shalt  }
0x82: {  	_ =	shalt  }
0x83: {  	_ =	shalt  }
0x84: {  	_ =	shalt  }
0x85: {  	_ =	shalt  }
0x86: {  	_ =	shalt  }
0x87: {  	_ =	shalt  }
.Lfunc_end0:
.L_simem_size_0:
called_computation_lowered:
.L_overlay_start_0:
0x88: {  	s2 =	sld [smem:$0x3FD9]  }
0x89: {  	s3 =	sld [smem:$0x3FFE];
	_ =	sdelay $0x1  }
0x8a: {  	s1 =	srdreg.scid  }
0x8b: {  	s0 =	sand.u32 $0x1, s1  }
0x8c: {  	s17 =	sshll.u32 s0, $0xA;
	s2 =	sadd.s32 s3, s2  }
0x8d: {  	s2 =	sadd.s32 s2, s17  }
0x8e: {  	[smem:$0x3FC1] =	sst s2  }
0x8f: {  	_ = 	snop  }
0x90: {  	s2 =	sld [smem:$0x3FC9];
	(tm) =	ssettm $0x1  }
0x91: {  	s18 =	sld [smem:$0x3FFB];
	_ =	sdelay $0x3  }
0x92: {  	_ =	strace s18  }
0x93: {  	s3 =	sld [smem:$0x3FFC];
	_ =	sdelay $0x3  }
0x94: {  	_ =	strace s3  }
0x95: {  	s3 =	sld [smem:$0x3FFD];
	_ =	sdelay $0x3  }
0x96: {  	_ =	strace s3  }
0x97: {  	_ =	strace $0x8FFFFFFF  }
0x98: {  	s19 =	sld [smem:$0x3FDB];
	_ =	sdelay $0x1  }
0x99: {  	s4 =	simm.s32 $_scs_section_size  }
0x9a: {  	s5 =	simm.s32 $_size__tile_overlayer_lowered;
	s6 =	simm.s32 $_tile_overlayer_lowered  }
0x9b: {  	s22 =	simm.s32 $0x1BFF;
	s21 =	sshll.u32 s6, $0x1;
	s3 =	sadd.s32 s4, s19  }
0x9c: {  	s7 =	simm.s32 $0x0;
	s20 =	sshll.u32 s5, $0x1;
	s5 =	sadd.s32 s21, s3  }
0x9d: {  	[timem:s7], [sflag:s22] =	dma.local [hbm:s5], s20  }
0x9e: {  	_ =	swait.ge [sflag:s22], s20  }
0x9f: {  	s4 =	ssub.s32 $0x0, s20;
	[sflag:s22] =	ssyncset.done $0x0  }
0xa0: {  	[sflag:s22] =	ssyncadd.s32 s4;
	_ =	sdelay $0x1  }
0xa1: {  	s23 =	simm.s32 $0x1B8B  }
0xa2: {  	_ =	swait.ge [sflag:s23], $0x1  }
0xa3: {  	[sflag:s23] =	ssyncset.done $0x0  }
0xa4: {  	s25 =	simm.s32 $0x1B8E;
	s24 =	sld [smem:$0x3FFE];
	[sflag:s23] =	ssyncadd.s32 $0xFFFFFFFF  }
0xa5: {  	s26 =	simm.s32 $execute0_lowered;
	[smem:$0x3FD2] =	sst s25  }
0xa6: {  	s5 =	sshll.u32 s26, $0x1;
	_ =	strace $0x80000046;
	[dreg:$0x1] =	wrdreg $0xFFFFFFFF  }
0xa7: {  	s28 =	simm.s32 $_size_execute0_lowered;
	s3 =	sadd.s32 s3, s5;
	[dreg:$0x0] =	wrdreg $0x0  }
0xa8: {  	s5 =	sshll.u32 s28, $0x1;
	[dreg:$0x2] =	wrdreg s3  }
0xa9: {  	[dreg:$0x3] =	wrdreg s5  }
0xaa: {  	[dreg:$0x4] =	wrdreg $0xC0  }
0xab: {  	_ =	task [dreg:s7], $0x5FFFF  }
0xac: {  	[dreg:$0x1] =	wrdreg $0xFFFFFFFF  }
0xad: {  	[dreg:$0x0] =	wrdreg $0x60  }
0xae: {  	[dreg:$0x2] =	wrdreg s24  }
0xaf: {  	[dreg:$0x3] =	wrdreg s2  }
0xb0: {  	[dreg:$0x4] =	wrdreg $0x9  }
0xb1: {  	_ =	task.clear_ibuf [dreg:s7], $0x5FFFF;
	_ =	strace $0x90000046  }
0xb2: {  	s29 =	simm.s32 $0x9;
	_ =	strace $0x80000048  }
0xb3: {  	_ =	swait.ge [sflag:s29], $0x1  }
0xb4: {  	[sflag:s29] =	ssyncadd.s32 $0xFFFFFFFF  }
0xb5: {  	_ =	strace $0x90000048  }
0xb6: {  	_ =	sfence  }
0xb7: {  	s30 =	sld [smem:$0x0];
	_ =	sdelay $0x2  }
0xb8: {  	s31 =	sshll.u32 s1, $0xD;
	s1 =	sshrl.u32 s1, $0x2  }
0xb9: {  	s3 =	sand.u32 $0x4000, s31;
	s1 =	sadd.s32 s1, s30  }
0xba: {  	s0 =	sor.u32 s3, s0;
	s1 =	sshll.u32 s1, $0x11  }
0xbb: {  	s0 =	sor.u32 s1, s0  }
0xbc: {  	s0 =	sadd.s32 $0x8F2B, s0  }
0xbd: {  	[sflag:s0] =	ssyncadd.remote.s32 $0x1  }
0xbe: {  	_ =	sfence.sel $0xFFFF  }
0xbf: {  	[dreg:$0x0] =	wrdreg $0xFFFFFFFF;
	(pc) =	sbr.abs _section_cstart, $3  }
0xc0: {  	[dreg:$0x1] =	wrdreg $0xFFFFFFFF  }
0xc1: {  	_ =	task.clear_ibuf [dreg:s7], $0x2FFFF;
	_ =	strace $0x9FFFFFFF  }
0xc2: {  	(tm) =	ssettm $0x7FFFFFFF  }
0xc3: {  	_ =	shalt  }
tec
execute0_lowered:
.L_overlay_start_1:
0x0: {  	(tag) =	ssettag $0x1  }
0x1: {  	s4 =	rddreg [dreg:$0x0]  }
0x2: {  	s1 =	srdreg.scid;
	s0 =	stileid.u32  }
0x3: {  	s2 =	rddreg [dreg:$0x1];
	s3 =	simm.s32 $0x0;
	s13 =	simm.s32 $0x5400  }
0x4: {  	s14 =	simm.s32 $0x1;
	s15 =	simm.s32 $0x2;
	s25 =	smul.u32 $0x140000, s0  }
0x5: {  	s16 =	simm.s32 $0x1380;
	s7 =	sand.u32 $0x1, s1;
	s29 =	smul.u32 $0x28000, s0  }
0x6: {  	s17 =	simm.s32 $0x0;
	s5 =	sshll.u32 s0, $0x1;
	s28 =	smul.u32 $0xA0000, s7  }
0x7: {  	s1 =	rddreg [dreg:$0x2];
	s5 =	sor.u32 s7, s5;
	s30 =	smul.u32 $0x14000, s7  }
0x8: {  	[smem:$0x7FF] =	sst s3;
	s8 =	ssub.s32 $0x2, s7;
	s6 =	smul.u32 $0x1400, s5  }
0x9: {  	s12 =	sadd.s32 $0x6C00, s4;
	s9 =	smul.u32 $0xA0000, s5;
	s10 =	sshrl.u32 s8, $0x1  }
0xa: {  	_ =	strace $0x80000047;
	s11 =	smul.u32 $0x14000, s5;
	s24 =	ssub.s32 s8, s10  }
0xb: {  	s8 =	sadd.s32 s28, s25;
	s10 =	sadd.s32 s29, s12;
	s6 =	sshrl.u32 s6, $0x3  }
0xc: {  	s26 =	sshrl.u32 s9, $0x3;
	s5 =	smax.u32 s24, $0x1;
	s31 =	sadd.s32 s12, s11  }
0xd: {  	s8 =	sshrl.u32 s8, $0x3;
	s9 =	sadd.s32 s30, s10;
	s10 =	simm.s32 $0x3  }
0xe: {  	s11 =	simm.s32 $0x80;
	s6 =	sadd.s32 s6, s4;
	s7 =	sadd.s32 $0x13800, s31  }
0xf: {  	s8 =	sadd.s32 s8, s12;
	s4 =	sadd.s32 $0x1C00, s6;
	s6 =	sadd.s32 s12, s26  }
0x10: {  	s9 =	sadd.s32 $0x800, s9;
	s12 =	simm.s32 $0x1400;
	s6 =	sadd.s32 $0x13000, s6  }
.LBB2_1:
0x11: {  	[tilespmem:s3], [sflag:$0x3] =	stream.linear.gather [hbm4b:s4+s3], $0x1400, $0x38;
	[tilespmem:$0x9400] =	vst v63  }
0x12: {  	_ =	swait.ge [sflag:s10], $0x1400  }
0x13: {  	[sflag:s10] =	ssyncset.done $0x0  }
0x14: {  	[sflag:s10] =	ssyncadd.s32 $0xFFFFEC00  }
0x15: {  	[tilespmem:s12], [sflag:$0x1] =	stream.indirect.gather [hbm4b:s2+s11], $0x80, s3, s11, $0xb8;
	[tilespmem:$0x9400] =	vst v63  }
0x16: {  	s18 =	simm.s32 $0x80  }
0x17: {  	[tilespmem:s13], [sflag:$0x2] =	stream.indirect.gather [hbm4b:s2+s11], $0x80, s18, s11, $0xb8;
	[tilespmem:$0x9400] =	vst v63  }
0x18: {  	_ =	swait.ge [sflag:s14], $0x4000  }
0x19: {  	[sflag:s14] =	ssyncset.done $0x0  }
0x1a: {  	s29 =	sadd.s32 $0x0, s8;
	[sflag:s14] =	ssyncadd.s32 $0xFFFFC000  }
0x1b: {  	[hbm4b:s29+s3] =	stream.linear.scatter [tilespmem:s12], [sflag:$0x3], $0x4000, $0x38;
	[tilespmem:$0x9400] =	vst v63  }
0x1c: {  	_ =	swait.ge [sflag:s10], $0x4000  }
0x1d: {  	[sflag:s10] =	ssyncset.done $0x0  }
0x1e: {  	s30 =	simm.s32 $0x100;
	[sflag:s10] =	ssyncadd.s32 $0xFFFFC000  }
0x1f: {  	[tilespmem:s12], [sflag:$0x1] =	stream.indirect.gather [hbm4b:s2+s11], $0x80, s30, s11, $0xb8;
	[tilespmem:$0x9400] =	vst v63  }
0x20: {  	_ =	swait.ge [sflag:s15], $0x4000  }
0x21: {  	[sflag:s15] =	ssyncset.done $0x0  }
0x22: {  	s31 =	sadd.s32 $0x0, s9;
	[sflag:s15] =	ssyncadd.s32 $0xFFFFC000  }
0x23: {  	[hbm4b:s31+s3] =	stream.linear.scatter [tilespmem:s13], [sflag:$0x3], $0x4000, $0x38;
	[tilespmem:$0x9400] =	vst v63  }
0x24: {  	s20 =	simm.s32 $0x2000;
	_ =	swait.ge [sflag:s10], $0x4000  }
0x25: {  	s19 =	simm.s32 $0x200;
	s18 =	simm.s32 $0x1000;
	[sflag:s10] =	ssyncset.done $0x0  }
.LBB2_2:
0x26: {  	p0 =	sne.s32 s20, $0x12000;
	s21 =	sadd.s32 $0xFFFFFF80, s19;
	[sflag:s10] =	ssyncadd.s32 $0xFFFFC000  }
0x27: {  	[tilespmem:s13], [sflag:$0x2] =	stream.indirect.gather [hbm4b:s2+s11], $0x80, s21, s11, $0xb8;
	[tilespmem:$0x9400] =	vst v63  }
0x28: {  	s21 =	smov.u32 s20;
	s20 =	sadd.s32 $0x1000, s20;
	_ =	swait.ge [sflag:s14], $0x4000  }
0x29: {  	[sflag:s14] =	ssyncset.done $0x0  }
0x2a: {  	s22 =	sadd.s32 s18, s8;
	[sflag:s14] =	ssyncadd.s32 $0xFFFFC000  }
0x2b: {  	[hbm4b:s22+s3] =	stream.linear.scatter [tilespmem:s12], [sflag:$0x3], $0x4000, $0x38;
	[tilespmem:$0x9400] =	vst v63  }
0x2c: {  	_ =	swait.ge [sflag:s10], $0x4000  }
0x2d: {  	[sflag:s10] =	ssyncset.done $0x0  }
0x2e: {  	[sflag:s10] =	ssyncadd.s32 $0xFFFFC000  }
0x2f: {  	[tilespmem:s12], [sflag:$0x1] =	stream.indirect.gather [hbm4b:s2+s11], $0x80, s19, s11, $0xb8;
	[tilespmem:$0x9400] =	vst v63  }
0x30: {  	_ =	swait.ge [sflag:s15], $0x4000  }
.Ltmp0:
0x31: {  	[sflag:s15] =	ssyncset.done $0x0;
	(pc) =	sbr.rel @p0 .LBB2_2-.Ltmp0, $4  }
0x32: {  	s22 =	sadd.s32 s18, s9;
	s18 =	smov.u32 s21;
	[sflag:s15] =	ssyncadd.s32 $0xFFFFC000  }
0x33: {  	[hbm4b:s22+s3] =	stream.linear.scatter [tilespmem:s13], [sflag:$0x3], $0x4000, $0x38;
	[tilespmem:$0x9400] =	vst v63  }
0x34: {  	_ =	swait.ge [sflag:s10], $0x4000  }
0x35: {  	s19 =	sadd.s32 $0x100, s19;
	[sflag:s10] =	ssyncset.done $0x0  }
0x36: {  	s20 =	sadd.s32 $0xFFFFFF80, s19;
	[sflag:s10] =	ssyncadd.s32 $0xFFFFC000  }
0x37: {  	[tilespmem:s13], [sflag:$0x2] =	stream.indirect.gather [hbm4b:s2+s11], $0x80, s20, s11, $0xb8;
	[tilespmem:$0x9400] =	vst v63  }
0x38: {  	_ =	swait.ge [sflag:s14], $0x4000  }
0x39: {  	[sflag:s14] =	ssyncset.done $0x0  }
0x3a: {  	s30 =	sadd.s32 s18, s8;
	[sflag:s14] =	ssyncadd.s32 $0xFFFFC000  }
0x3b: {  	[hbm4b:s30+s3] =	stream.linear.scatter [tilespmem:s12], [sflag:$0x3], $0x4000, $0x38;
	[tilespmem:$0x9400] =	vst v63  }
0x3c: {  	_ =	swait.ge [sflag:s10], $0x4000  }
0x3d: {  	[sflag:s10] =	ssyncset.done $0x0  }
0x3e: {  	[sflag:s10] =	ssyncadd.s32 $0xFFFFC000  }
0x3f: {  	[tilespmem:s12], [sflag:$0x1] =	stream.indirect.gather [hbm4b:s2+s11], $0x80, s19, s11, $0xb8;
	[tilespmem:$0x9400] =	vst v63  }
0x40: {  	_ =	swait.ge [sflag:s15], $0x4000  }
0x41: {  	[sflag:s15] =	ssyncset.done $0x0  }
0x42: {  	s31 =	sadd.s32 s18, s9;
	[sflag:s15] =	ssyncadd.s32 $0xFFFFC000  }
0x43: {  	[hbm4b:s31+s3] =	stream.linear.scatter [tilespmem:s13], [sflag:$0x3], $0x4000, $0x38;
	[tilespmem:$0x9400] =	vst v63  }
0x44: {  	_ =	swait.ge [sflag:s10], $0x4000  }
0x45: {  	[sflag:s10] =	ssyncset.done $0x0  }
0x46: {  	[sflag:s10] =	ssyncadd.s32 $0xFFFFC000  }
0x47: {  	[tilespmem:s13], [sflag:$0x2] =	stream.indirect.gather [hbm4b:s2+s11], $0x80, s16, s11, $0xb8;
	[tilespmem:$0x9400] =	vst v63  }
0x48: {  	_ =	swait.ge [sflag:s14], $0x4000  }
0x49: {  	[sflag:s14] =	ssyncset.done $0x0  }
0x4a: {  	[sflag:s14] =	ssyncadd.s32 $0xFFFFC000  }
0x4b: {  	[hbm4b:s6+s3] =	stream.linear.scatter [tilespmem:s12], [sflag:$0x3], $0x4000, $0x38;
	[tilespmem:$0x9400] =	vst v63  }
0x4c: {  	_ =	swait.ge [sflag:s10], $0x4000  }
0x4d: {  	[sflag:s10] =	ssyncset.done $0x0  }
0x4e: {  	[sflag:s10] =	ssyncadd.s32 $0xFFFFC000  }
0x4f: {  	[tilespmem:s12], [sflag:$0x1] =	stream.indirect.gather [hbm4b:s2+s11], $0x80, s3, s11, $0xb8;
	[tilespmem:$0x9400] =	vst v63  }
0x50: {  	_ =	swait.ge [sflag:s15], $0x4000  }
0x51: {  	[sflag:s15] =	ssyncset.done $0x0  }
0x52: {  	s17 =	sadd.s32 $0x1, s17;
	[sflag:s15] =	ssyncadd.s32 $0xFFFFC000  }
0x53: {  	[hbm4b:s7+s3] =	stream.linear.scatter [tilespmem:s13], [sflag:$0x3], $0x4000, $0x38;
	[tilespmem:$0x9400] =	vst v63  }
0x54: {  	p0 =	sne.s32 s17, s5;
	_ =	swait.ge [sflag:s10], $0x4000  }
.Ltmp1:
0x55: {  	[sflag:s10] =	ssyncset.done $0x0;
	(pc) =	sbr.rel @p0 .LBB2_1-.Ltmp1, $4  }
0x56: {  	[sflag:s10] =	ssyncadd.s32 $0xFFFFC000  }
0x57: {  	_ =	swait.ge [sflag:s14], $0x4000  }
0x58: {  	[sflag:s14] =	ssyncset.done $0x0  }
0x59: {  	[sflag:s14] =	ssyncadd.s32 $0xFFFFC000  }
0x5a: {  	_ =	sfence.sel $0x180000  }
0x5b: {  	[bflag:$0x0] =	sbarrier.arrive $0xFFFF  }
0x5c: {  	p0 =	sne.s32 s0, $0x0;
	_ =	strace $0x90000047  }
0x5d: {  	s0 =	sadd.s32 @!p0 $0x100000, s1;
	[bflag:$0x2] =	sbarrier.arrive $0xFFFF  }
0x5e: {  	[sflag:s0] =	ssyncadd.tile.s32 @!p0 $0x1;
	_ =	shalt  }
.Lfunc_end2:
_tile_overlayer_lowered:
.L_overlay_start_2:
0x5f: {  	(tag) =	ssettag $0x2  }
0x60: {  	s0 =	rddreg [dreg:$0x0];
	s2 =	stileid.u32  }
0x61: {  	s1 =	rddreg [dreg:$0x1];
	p0 =	sne.s32 s2, $0x0  }
0x62: {  	s3 =	rddreg [dreg:$0x2];
	[bflag:$0x3] =	sbarrier.arrive $0xFFFF;
	s2 =	simm.s32 @!p0 $0x1C03  }
0x63: {  	[timem:s3], [sflag:s2] =	dma.local @!p0 [hbm:s0], s1  }
0x64: {  	s0 =	simm.s32 @!p0 $0x3  }
0x65: {  	_ =	swait.ge @!p0 [sflag:s0], s1  }
0x66: {  	s1 =	ssub.s32 @!p0 $0x0, s1;
	[sflag:s0] =	ssyncset.done @!p0 $0x0  }
0x67: {  	[sflag:s0] =	ssyncadd.s32 @!p0 s1  }
0x68: {  	[bflag:$0x3] =	sbarrier.arrive $0xFFFF  }
0x69: {  	_ =	shalt  }

// kernel: kernel.8.cloned.1.call-start
scs
__scs_entry_jumppad:
0x0: {  	(pc) =	sbr.rel $0x88, $3  }
0x1: {  	(tag) =	ssettag $0x0;
	lr =	simm.s32 $0x1  }
0x2: {  	[smem:$0x3F9A] =	sst lr;
	_ =	strace $0xD0000000  }
0x3: {  	_ = 	snop  }
0x4: {  	_ = 	snop  }
0x5: {  	_ = 	snop  }
0x6: {  	_ = 	snop  }
0x7: {  	_ = 	snop  }
__scs_overlays_trampoline_lowered:
0x8: {  	[smem:$0x3FA9] =	sst s0  }
0x9: {  	[smem:$0x3FAA] =	sst s1  }
0xa: {  	[smem:$0x3FAB] =	sst s2  }
0xb: {  	[smem:$0x3FAC] =	sst s3  }
0xc: {  	[smem:$0x3FAD] =	sst s4  }
0xd: {  	[smem:$0x3FAE] =	sst s5  }
0xe: {  	[smem:$0x3FAF] =	sst s6  }
0xf: {  	[smem:$0x3FB0] =	sst s7  }
0x10: {  	[smem:$0x3FB1] =	sst s8  }
0x11: {  	[smem:$0x3FB2] =	sst s9;
	s0 =	simm.s32 @!p0 $0x0  }
0x12: {  	s1 =	sld [smem:$0x3F98];
	s0 =	simm.s32 @p0 $0x1  }
0x13: {  	[smem:$0x3FB3] =	sst s0;
	s0 =	simm.s32 @!p1 $0x0  }
0x14: {  	s2 =	sld [smem:$0x3F97];
	s0 =	simm.s32 @p1 $0x1  }
0x15: {  	[smem:$0x3FB4] =	sst s0;
	s0 =	simm.s32 @!p2 $0x0  }
0x16: {  	s3 =	sld [smem:$0x3FDB];
	s0 =	simm.s32 @p2 $0x1  }
0x17: {  	s4 =	simm.s32 $0x1BF5;
	[smem:$0x3FB6] =	sst s0  }
0x18: {  	s0 =	sld [smem:$0x3F99];
	_ =	swait.ge [sflag:s4], $0x0  }
0x19: {  	s7 =	sld [smem:$0x3F9A]  }
0x1a: {  	s8 =	sadd.s32 $0xFFFFE003, lr  }
0x1b: {  	s9 =	sadd.s32 $0xFFFFFEF7, lr;
	s5 =	simm.s32 $0xFFFFFFFF;
	p2 =	slt.u32 s8, $0xFFFFF086  }
0x1c: {  	p1 =	slt.u32 s9, $0xF7A;
	s5 =	simm.s32 @!p2 $0x0  }
0x1d: {  	s5 =	simm.s32 @p1 $0x1;
	p0 =	seq.s32 s7, s2  }
0x1e: {  	s7 =	smul.u32 @!p0 $0xF7A, s2;
	p2 =	seq.s32 @!p0 s5, $0x0  }
0x1f: {  	s9 =	smul.u32 $0xF7A, s1;
	s8 =	simm.s32 @!p0 $0x1BF5;
	p2 =	por !p2, p0  }
0x20: {  	[sflag:s8] =	ssyncset.s32 @!p0 $0xFFFFF086;
	s6 =	sadd.s32 @!p0 s3, s7;
	s7 =	simm.s32 @!p0 $0x108  }
0x21: {  	s3 =	sadd.s32 s3, s9;
	s6 =	sadd.s32 @!p0 $0x88, s6;
	s7 =	simm.s32 @p2 $0x1082  }
0x22: {  	[simem:s7], [sflag:s8] =	dma.local @!p0 [hbm:s6], $0xF7A  }
0x23: {  	s9 =	sor.u32 $0xD0000000, s2;
	s6 =	simm.s32 $0x108;
	_ =	swait.ge @!p0 [sflag:s8], $0x0  }
0x24: {  	s3 =	sadd.s32 $0x88, s3;
	s6 =	simm.s32 @!p1 $0x1082;
	[sflag:s4] =	ssyncset.s32 $0xFFFFF086  }
0x25: {  	[simem:s6], [sflag:s4] =	dma.local [hbm:s3], $0xF7A  }
0x26: {  	[smem:$0x3F9A] =	sst s1;
	(tag) =	ssettag s2;
	_ =	strace s9  }
0x27: {  	s1 =	sld [smem:$0x3FAA]  }
0x28: {  	s2 =	sld [smem:$0x3FAB]  }
0x29: {  	s4 =	sld [smem:$0x3FAD]  }
0x2a: {  	p0 =	seq.s32 s5, $0x0;
	s5 =	sld [smem:$0x3FAE]  }
0x2b: {  	s6 =	sld [smem:$0x3FAF]  }
0x2c: {  	s7 =	sld [smem:$0x3FB0]  }
0x2d: {  	s3 =	simm.s32 $0x108;
	s8 =	sld [smem:$0x3FB1]  }
0x2e: {  	s3 =	simm.s32 @!p0 $0x1082;
	s9 =	sld [smem:$0x3FB2]  }
0x2f: {  	lr =	sadd.s32 s0, s3;
	s0 =	sld [smem:$0x3FA9]  }
0x30: {  	s3 =	sld [smem:$0x3FAC]  }
0x31: {  	[smem:$0x3FB5] =	sst s10  }
0x32: {  	s10 =	sld [smem:$0x3FB3];
	_ =	sdelay $0x3  }
0x33: {  	p0 =	seq.s32 s10, $0x1;
	s10 =	sld [smem:$0x3FB5];
	_ =	sdelay $0x3  }
0x34: {  	[smem:$0x3FB5] =	sst s10  }
0x35: {  	s10 =	sld [smem:$0x3FB4];
	_ =	sdelay $0x3  }
0x36: {  	p1 =	seq.s32 s10, $0x1;
	s10 =	sld [smem:$0x3FB5];
	_ =	sdelay $0x3  }
0x37: {  	[smem:$0x3FB5] =	sst s10  }
0x38: {  	s10 =	sld [smem:$0x3FB6]  }
0x39: {  	_ = 	snop;
	(pc) =	sbr.ind lr, $3  }
0x3a: {  	_ = 	snop  }
0x3b: {  	_ = 	snop  }
0x3c: {  	p2 =	seq.s32 s10, $0x1;
	s10 =	sld [smem:$0x3FB5]  }
0x3d: {  	_ =	shalt  }
0x3e: {  	_ =	shalt  }
0x3f: {  	_ =	shalt  }
0x40: {  	_ =	shalt  }
0x41: {  	_ =	shalt  }
0x42: {  	_ =	shalt  }
0x43: {  	_ =	shalt  }
0x44: {  	_ =	shalt  }
0x45: {  	_ =	shalt  }
0x46: {  	_ =	shalt  }
0x47: {  	_ =	shalt  }
0x48: {  	_ =	shalt  }
0x49: {  	_ =	shalt  }
0x4a: {  	_ =	shalt  }
0x4b: {  	_ =	shalt  }
0x4c: {  	_ =	shalt  }
0x4d: {  	_ =	shalt  }
0x4e: {  	_ =	shalt  }
0x4f: {  	_ =	shalt  }
0x50: {  	_ =	shalt  }
0x51: {  	_ =	shalt  }
0x52: {  	_ =	shalt  }
0x53: {  	_ =	shalt  }
0x54: {  	_ =	shalt  }
0x55: {  	_ =	shalt  }
0x56: {  	_ =	shalt  }
0x57: {  	_ =	shalt  }
0x58: {  	_ =	shalt  }
0x59: {  	_ =	shalt  }
0x5a: {  	_ =	shalt  }
0x5b: {  	_ =	shalt  }
0x5c: {  	_ =	shalt  }
0x5d: {  	_ =	shalt  }
0x5e: {  	_ =	shalt  }
0x5f: {  	_ =	shalt  }
0x60: {  	_ =	shalt  }
0x61: {  	_ =	shalt  }
0x62: {  	_ =	shalt  }
0x63: {  	_ =	shalt  }
0x64: {  	_ =	shalt  }
0x65: {  	_ =	shalt  }
0x66: {  	_ =	shalt  }
0x67: {  	_ =	shalt  }
0x68: {  	_ =	shalt  }
0x69: {  	_ =	shalt  }
0x6a: {  	_ =	shalt  }
0x6b: {  	_ =	shalt  }
0x6c: {  	_ =	shalt  }
0x6d: {  	_ =	shalt  }
0x6e: {  	_ =	shalt  }
0x6f: {  	_ =	shalt  }
0x70: {  	_ =	shalt  }
0x71: {  	_ =	shalt  }
0x72: {  	_ =	shalt  }
0x73: {  	_ =	shalt  }
0x74: {  	_ =	shalt  }
0x75: {  	_ =	shalt  }
0x76: {  	_ =	shalt  }
0x77: {  	_ =	shalt  }
0x78: {  	_ =	shalt  }
0x79: {  	_ =	shalt  }
0x7a: {  	_ =	shalt  }
0x7b: {  	_ =	shalt  }
0x7c: {  	_ =	shalt  }
0x7d: {  	_ =	shalt  }
0x7e: {  	_ =	shalt  }
0x7f: {  	_ =	shalt  }
0x80: {  	_ =	shalt  }
0x81: {  	_ =	shalt  }
0x82: {  	_ =	shalt  }
0x83: {  	_ =	shalt  }
0x84: {  	_ =	shalt  }
0x85: {  	_ =	shalt  }
0x86: {  	_ =	shalt  }
0x87: {  	_ =	shalt  }
.Lfunc_end0:
.L_simem_size_0:
called_computation.1_lowered:
.L_overlay_start_0:
0x88: {  	s2 =	sld [smem:$0x3FD9]  }
0x89: {  	s3 =	sld [smem:$0x3FFE];
	_ =	sdelay $0x1  }
0x8a: {  	s1 =	srdreg.scid  }
0x8b: {  	s0 =	sand.u32 $0x1, s1  }
0x8c: {  	s17 =	sshll.u32 s0, $0xA;
	s2 =	sadd.s32 s3, s2  }
0x8d: {  	s2 =	sadd.s32 s2, s17  }
0x8e: {  	[smem:$0x3FC1] =	sst s2  }
0x8f: {  	_ = 	snop  }
0x90: {  	s2 =	sld [smem:$0x3FD0];
	(tm) =	ssettm $0x1  }
0x91: {  	s18 =	sld [smem:$0x3FFB];
	_ =	sdelay $0x3  }
0x92: {  	_ =	strace s18  }
0x93: {  	s3 =	sld [smem:$0x3FFC];
	_ =	sdelay $0x3  }
0x94: {  	_ =	strace s3  }
0x95: {  	s3 =	sld [smem:$0x3FFD];
	_ =	sdelay $0x3  }
0x96: {  	_ =	strace s3  }
0x97: {  	_ =	strace $0x8FFFFFFF  }
0x98: {  	s19 =	sld [smem:$0x3FDB];
	_ =	sdelay $0x1  }
0x99: {  	s4 =	simm.s32 $_scs_section_size  }
0x9a: {  	s5 =	simm.s32 $_size__tile_overlayer_lowered;
	s6 =	simm.s32 $_tile_overlayer_lowered  }
0x9b: {  	s22 =	simm.s32 $0x1BFF;
	s21 =	sshll.u32 s6, $0x1;
	s3 =	sadd.s32 s4, s19  }
0x9c: {  	s7 =	simm.s32 $0x0;
	s20 =	sshll.u32 s5, $0x1;
	s5 =	sadd.s32 s21, s3  }
0x9d: {  	[timem:s7], [sflag:s22] =	dma.local [hbm:s5], s20  }
0x9e: {  	_ =	swait.ge [sflag:s22], s20  }
0x9f: {  	s4 =	ssub.s32 $0x0, s20;
	[sflag:s22] =	ssyncset.done $0x0  }
0xa0: {  	[sflag:s22] =	ssyncadd.s32 s4;
	_ =	sdelay $0x1  }
0xa1: {  	s23 =	simm.s32 $0x1B8B  }
0xa2: {  	_ =	swait.ge [sflag:s23], $0x1  }
0xa3: {  	[sflag:s23] =	ssyncset.done $0x0  }
0xa4: {  	s25 =	simm.s32 $0x1B8E;
	s24 =	sld [smem:$0x3FFE];
	[sflag:s23] =	ssyncadd.s32 $0xFFFFFFFF  }
0xa5: {  	s26 =	simm.s32 $execute0_lowered;
	[smem:$0x3FD2] =	sst s25  }
0xa6: {  	s5 =	sshll.u32 s26, $0x1;
	_ =	strace $0x80000049;
	[dreg:$0x1] =	wrdreg $0xFFFFFFFF  }
0xa7: {  	s28 =	simm.s32 $_size_execute0_lowered;
	s3 =	sadd.s32 s3, s5;
	[dreg:$0x0] =	wrdreg $0x0  }
0xa8: {  	s5 =	sshll.u32 s28, $0x1;
	[dreg:$0x2] =	wrdreg s3  }
0xa9: {  	[dreg:$0x3] =	wrdreg s5  }
0xaa: {  	[dreg:$0x4] =	wrdreg $0xC0  }
0xab: {  	_ =	task [dreg:s7], $0x5FFFF  }
0xac: {  	[dreg:$0x1] =	wrdreg $0xFFFFFFFF  }
0xad: {  	[dreg:$0x0] =	wrdreg $0x60  }
0xae: {  	[dreg:$0x2] =	wrdreg s24  }
0xaf: {  	[dreg:$0x3] =	wrdreg s2  }
0xb0: {  	[dreg:$0x4] =	wrdreg $0x10800  }
0xb1: {  	[dreg:$0x5] =	wrdreg $0x9  }
0xb2: {  	_ =	task.clear_ibuf [dreg:s7], $0x6FFFF;
	_ =	strace $0x90000049  }
0xb3: {  	s29 =	simm.s32 $0x9;
	_ =	strace $0x8000004B  }
0xb4: {  	_ =	swait.ge [sflag:s29], $0x1  }
0xb5: {  	[sflag:s29] =	ssyncadd.s32 $0xFFFFFFFF  }
0xb6: {  	_ =	strace $0x9000004B  }
0xb7: {  	_ =	sfence  }
0xb8: {  	s30 =	sld [smem:$0x0];
	_ =	sdelay $0x2  }
0xb9: {  	s31 =	sshll.u32 s1, $0xD;
	s1 =	sshrl.u32 s1, $0x2  }
0xba: {  	s3 =	sand.u32 $0x4000, s31;
	s1 =	sadd.s32 s1, s30  }
0xbb: {  	s0 =	sor.u32 s3, s0;
	s1 =	sshll.u32 s1, $0x11  }
0xbc: {  	s0 =	sor.u32 s1, s0  }
0xbd: {  	s0 =	sadd.s32 $0x8F2B, s0  }
0xbe: {  	[sflag:s0] =	ssyncadd.remote.s32 $0x1  }
0xbf: {  	_ =	sfence.sel $0xFFFF  }
0xc0: {  	[dreg:$0x0] =	wrdreg $0xFFFFFFFF;
	(pc) =	sbr.abs _section_cstart, $3  }
0xc1: {  	[dreg:$0x1] =	wrdreg $0xFFFFFFFF  }
0xc2: {  	_ =	task.clear_ibuf [dreg:s7], $0x2FFFF;
	_ =	strace $0x9FFFFFFF  }
0xc3: {  	(tm) =	ssettm $0x7FFFFFFF  }
tec
execute0_lowered:
.L_overlay_start_1:
0x0: {  	(tag) =	ssettag $0x1  }
0x1: {  	s0 =	srdreg.scid;
	s5 =	rddreg [dreg:$0x0]  }
0x2: {  	s2 =	rddreg [dreg:$0x1];
	s6 =	sand.u32 $0x1, s0  }
0x3: {  	s0 =	stileid.u32;
	s7 =	smul.u32 $0x14000, s6  }
0x4: {  	s3 =	rddreg [dreg:$0x2];
	s8 =	smul.u32 $0x1400, s0  }
0x5: {  	s1 =	rddreg [dreg:$0x3];
	s4 =	simm.s32 $0x0;
	s9 =	smul.u32 $0x5000, s0  }
0x6: {  	s13 =	simm.s32 $0x0;
	[smem:$0x7FF] =	sst s4;
	s10 =	smul.u32 $0x50000, s6  }
0x7: {  	_ =	strace $0x8000004A;
	s6 =	ssub.s32 $0x2, s6;
	s31 =	sshll.u32 s0, $0x6  }
0x8: {  	s30 =	sshrl.u32 s6, $0x1;
	s7 =	sadd.s32 s8, s7;
	s26 =	sadd.s32 s9, s10  }
0x9: {  	s11 =	ssub.s32 s6, s30;
	s12 =	sadd.s32 s9, s3;
	s7 =	sshrl.u32 s7, $0x3  }
0xa: {  	s29 =	sshrl.u32 s26, $0x3;
	s8 =	sadd.s32 s26, s5;
	s10 =	sshrl.u32 s12, $0x3  }
0xb: {  	s12 =	simm.s32 $0x80;
	s28 =	sadd.s32 s7, s5;
	s7 =	sadd.s32 s29, s5  }
0xc: {  	s5 =	sor.u32 $0x1C01, s31;
	s8 =	sadd.s32 $0x3C4400, s8;
	s6 =	sadd.s32 $0x1C00, s7  }
0xd: {  	s7 =	smax.u32 s11, $0x1;
	s9 =	sadd.s32 $0x3BF400, s28;
	s11 =	simm.s32 $0x1  }
.LBB2_1:
0xe: {  	[spmem:s10], [sflag:s5] =	dma.local [hbm:s2], $0xA00  }
0xf: {  	_ =	swait.ge [sflag:s11], $0xA00  }
0x10: {  	[sflag:s11] =	ssyncset.done $0x0  }
0x11: {  	[sflag:s11] =	ssyncadd.s32 $0xFFFFF600  }
0x12: {  	s14 =	sadd.s32 $0x0, s9;
	[bflag:$0x0] =	sbarrier.arrive $0xFFFF  }
0x13: {  	[tilespmem:s4], [sflag:$0x1] =	stream.linear.gather [hbm4b:s14+s4], $0x80, $0x38;
	[tilespmem:$0x6080] =	vst v63  }
0x14: {  	_ =	swait.ge [sflag:s11], $0x80  }
0x15: {  	[sflag:s11] =	ssyncset.done $0x0  }
0x16: {  	[sflag:s11] =	ssyncadd.s32 $0xFFFFFF80  }
0x17: {  	[tilespmem:s12], [sflag:$0x1] =	stream.linear.gather [hbm4b:s8+s4], $0x1000, $0x38;
	[tilespmem:$0x6080] =	vst v63  }
0x18: {  	_ =	swait.ge [sflag:s11], $0x1000  }
0x19: {  	[sflag:s11] =	ssyncset.done $0x0  }
0x1a: {  	[sflag:s11] =	ssyncadd.s32 $0xFFFFF000  }
0x1b: {  	[spmem:s3] =	stream.indirect.scatter.add.f32 [tilespmem:s12], [sflag:$0x1], $0x20, s4, s12, $0xb8;
	[tilespmem:$0x6080] =	vst v63  }
0x1c: {  	s15 =	simm.s32 $0x10;
	_ =	swait.ge [sflag:s11], $0x1000  }
0x1d: {  	s16 =	simm.s32 $0x20;
	s14 =	sadd.s32 $0x200, s8;
	[sflag:s11] =	ssyncset.done $0x0  }
.LBB2_2:
0x1e: {  	s17 =	sadd.s32 s15, s9  }
0x1f: {  	[sflag:s11] =	ssyncadd.s32 $0xFFFFF000;
	s15 =	smov.u32 s16;
	s18 =	sadd.s32 $0x10, s16  }
0x20: {  	[tilespmem:s4], [sflag:$0x1] =	stream.linear.gather [hbm4b:s17+s4], $0x80, $0x38;
	[tilespmem:$0x6080] =	vst v63  }
0x21: {  	p0 =	sne.s32 s16, $0x270;
	_ =	swait.ge [sflag:s11], $0x80  }
0x22: {  	[sflag:s11] =	ssyncset.done $0x0  }
0x23: {  	[sflag:s11] =	ssyncadd.s32 $0xFFFFFF80  }
0x24: {  	[tilespmem:s12], [sflag:$0x1] =	stream.linear.gather [hbm4b:s14+s4], $0x1000, $0x38;
	[tilespmem:$0x6080] =	vst v63  }
0x25: {  	_ =	swait.ge [sflag:s11], $0x1000  }
.Ltmp0:
0x26: {  	[sflag:s11] =	ssyncset.done $0x0;
	(pc) =	sbr.rel @p0 .LBB2_2-.Ltmp0, $4  }
0x27: {  	[sflag:s11] =	ssyncadd.s32 $0xFFFFF000  }
0x28: {  	[spmem:s3] =	stream.indirect.scatter.add.f32 [tilespmem:s12], [sflag:$0x1], $0x20, s4, s12, $0xb8;
	[tilespmem:$0x6080] =	vst v63  }
0x29: {  	_ =	swait.ge [sflag:s11], $0x1000  }
0x2a: {  	s16 =	smov.u32 s18;
	s14 =	sadd.s32 $0x200, s14;
	[sflag:s11] =	ssyncset.done $0x0  }
0x2b: {  	s15 =	sadd.s32 s15, s9;
	[sflag:s11] =	ssyncadd.s32 $0xFFFFF000  }
0x2c: {  	[tilespmem:s4], [sflag:$0x1] =	stream.linear.gather [hbm4b:s15+s4], $0x80, $0x38;
	[tilespmem:$0x6080] =	vst v63  }
0x2d: {  	_ =	swait.ge [sflag:s11], $0x80  }
0x2e: {  	[sflag:s11] =	ssyncset.done $0x0  }
0x2f: {  	[sflag:s11] =	ssyncadd.s32 $0xFFFFFF80  }
0x30: {  	[tilespmem:s12], [sflag:$0x1] =	stream.linear.gather [hbm4b:s14+s4], $0x1000, $0x38;
	[tilespmem:$0x6080] =	vst v63  }
0x31: {  	_ =	swait.ge [sflag:s11], $0x1000  }
0x32: {  	[sflag:s11] =	ssyncset.done $0x0  }
0x33: {  	[sflag:s11] =	ssyncadd.s32 $0xFFFFF000  }
0x34: {  	[spmem:s3] =	stream.indirect.scatter.add.f32 [tilespmem:s12], [sflag:$0x1], $0x20, s4, s12, $0xb8;
	[tilespmem:$0x6080] =	vst v63  }
0x35: {  	_ =	swait.ge [sflag:s11], $0x1000  }
0x36: {  	s13 =	sadd.s32 $0x1, s13;
	[sflag:s11] =	ssyncset.done $0x0  }
0x37: {  	p0 =	sne.s32 s13, s7;
	[sflag:s11] =	ssyncadd.s32 $0xFFFFF000  }
.Ltmp1:
0x38: {  	[bflag:$0x0] =	sbarrier.arrive $0xFFFF;
	(pc) =	sbr.rel @p0 .LBB2_1-.Ltmp1, $4  }
0x39: {  	[hbm:s6], [sflag:s5] =	dma.local [spmem:s10], $0xA00  }
0x3a: {  	_ =	swait.ge [sflag:s11], $0xA00  }
0x3b: {  	[sflag:s11] =	ssyncset.done $0x0  }
0x3c: {  	[sflag:s11] =	ssyncadd.s32 $0xFFFFF600  }
0x3d: {  	_ =	sfence.sel $0x180000  }
0x3e: {  	[bflag:$0x0] =	sbarrier.arrive $0xFFFF  }
0x3f: {  	p0 =	sne.s32 s0, $0x0;
	_ =	strace $0x9000004A  }
0x40: {  	s0 =	sadd.s32 @!p0 $0x100000, s1;
	[bflag:$0x2] =	sbarrier.arrive $0xFFFF  }
0x41: {  	[sflag:s0] =	ssyncadd.tile.s32 @!p0 $0x1;
	_ =	shalt  }
.Lfunc_end2:
_tile_overlayer_lowered:
.L_overlay_start_2:
0x42: {  	(tag) =	ssettag $0x2  }
0x43: {  	s0 =	rddreg [dreg:$0x0];
	s2 =	stileid.u32  }
0x44: {  	s1 =	rddreg [dreg:$0x1];
	p0 =	sne.s32 s2, $0x0  }
0x45: {  	s3 =	rddreg [dreg:$0x2];
	[bflag:$0x3] =	sbarrier.arrive $0xFFFF;
	s2 =	simm.s32 @!p0 $0x1C01  }
0x46: {  	[timem:s3], [sflag:s2] =	dma.local @!p0 [hbm:s0], s1  }
0x47: {  	s0 =	simm.s32 @!p0 $0x1  }
0x48: {  	_ =	swait.ge @!p0 [sflag:s0], s1  }
0x49: {  	s1 =	ssub.s32 @!p0 $0x0, s1;
	[sflag:s0] =	ssyncset.done @!p0 $0x0  }
0x4a: {  	[sflag:s0] =	ssyncadd.s32 @!p0 s1  }
0x4b: {  	[bflag:$0x3] =	sbarrier.arrive $0xFFFF  }
0x4c: {  	_ =	shalt  }

</sc_bundles>
